<compile_context>
chip_gen: v7x
topology: tpu7x:2x2x1
jax: 0.10.2.dev20260603
libtpu: 0.0.44.dev20260713+nightly
codegen_flags: <defaults>
</compile_context>

<pallas_src>
import functools

import jax
import jax.numpy as jnp
from jax import lax
from jax.experimental import pallas as pl
from jax.experimental.pallas import tpu as pltpu
from jax.experimental.pallas import tpu_sc as plsc

_B = 4
_N = 2048
_S = 1024
_BS = 128


def _dist_body(xj_ref, yj_ref, zj_ref, xi_ref, yi_ref, zi_ref, o_ref):
    xj = xj_ref[...][:, None, :]
    yj = yj_ref[...][:, None, :]
    zj = zj_ref[...][:, None, :]
    xi = xi_ref[...][:, :, None]
    yi = yi_ref[...][:, :, None]
    zi = zi_ref[...][:, :, None]
    dx = xj - xi
    dy = yj - yi
    dz = zj - zi
    s = dx * dx + dy * dy
    s = s + dz * dz
    o_ref[...] = jnp.sqrt(jnp.maximum(s, 1e-12))


def _tc_dist(xs, ys, zs):
    full = pl.BlockSpec((_B, _N), lambda i: (0, 0))
    blk = pl.BlockSpec((_B, _BS), lambda i: (0, i))
    return pl.pallas_call(
        _dist_body,
        grid=(_N // _BS,),
        in_specs=[full, full, full, blk, blk, blk],
        out_specs=pl.BlockSpec((_B, _BS, _N), lambda i: (0, i, 0)),
        out_shape=jax.ShapeDtypeStruct((_B, _N, _N), jnp.float32),
    )(xs, ys, zs, xs, ys, zs)


def _sc_loop(d16, p2):
    mesh = plsc.VectorSubcoreMesh(core_axis_name="c", subcore_axis_name="s")
    big = jnp.int32(1 << 30)
    ninf = jnp.float32(-jnp.inf)
    dnums = lax.GatherDimensionNumbers(
        offset_dims=(), collapsed_slice_dims=(0,), start_index_map=(0,)
    )

    @functools.partial(
        pl.kernel,
        mesh=mesh,
        out_type=jax.ShapeDtypeStruct((_B, _S, 128), jnp.float32),
        scratch_types=[
            pltpu.VMEM((16, 128), jnp.float32),
            pltpu.VMEM((16, 128), jnp.float32),
            pltpu.VMEM((16,), jnp.int32),
            pltpu.VMEM((_S + 16,), jnp.int32),
            pltpu.VMEM((128, 128), jnp.float32),
            pltpu.SemaphoreType.DMA,
        ],
    )
    def k(d_hbm, p_hbm, out_hbm, ds_v, row_v, idx_v, wids_v, pt_v, sem):
        wid = lax.axis_index("s") * 2 + lax.axis_index("c")

        @pl.when(wid < _B)
        def _():
            base = wid * _N
            lane = lax.iota(jnp.int32, 16)

            def perm(v, idx):
                return lax.gather(
                    v, jnp.reshape(idx, (16, 1)), dnums, (1,),
                    mode=lax.GatherScatterMode.PROMISE_IN_BOUNDS,
                )

            def allmax_f32(v):
                for s in (1, 2, 4, 8):
                    v = jnp.maximum(v, perm(v, lane ^ s))
                return v

            def allmin_i32(v):
                for s in (1, 2, 4, 8):
                    v = jnp.minimum(v, perm(v, lane ^ s))
                return v

            def initf(c, _):
                sl = pl.ds(c * 16, 16)
                inf16 = jnp.full((16,), jnp.inf, jnp.float32)
                for r in range(16):
                    ds_v[r, sl] = inf16
                return 0

            lax.fori_loop(0, 8, initf, 0)
            idx_v[...] = base * 16 + lane
            pltpu.async_copy(d_hbm.at[idx_v], row_v, sem).wait()

            def step(kk, _):
                cm = jnp.full((16,), ninf, jnp.float32)
                cg = jnp.full((16,), big, jnp.int32)
                for r in range(16):
                    def fuse(c, carry, r=r):
                        fm, fg = carry
                        sl = pl.ds(c * 16, 16)
                        v = jnp.minimum(ds_v[r, sl], row_v[r, sl])
                        ds_v[r, sl] = v
                        upd = v > fm
                        gvec = lane + (r * 128) + c * 16
                        return jnp.where(upd, v, fm), jnp.where(upd, gvec, fg)

                    cm, cg = lax.fori_loop(0, 8, fuse, (cm, cg))
                m_all = allmax_f32(cm)
                cand = jnp.where(cm == m_all, cg, big)
                w_all = allmin_i32(cand)
                rowid = base + w_all
                wids_v[pl.ds(kk, 16)] = rowid
                idx_v[...] = rowid * 16 + lane
                pltpu.async_copy(d_hbm.at[idx_v], row_v, sem).wait()
                return 0

            lax.fori_loop(0, _S, step, 0)
            for g in range(8):
                pltpu.async_copy(
                    p_hbm.at[wids_v.at[pl.ds(g * 128, 128)]], pt_v, sem
                ).wait()
                pltpu.sync_copy(pt_v, out_hbm.at[wid, pl.ds(g * 128, 128)])

    return k(d16, p2)


def kernel(inputs):
    xs = inputs[:, :, 0]
    ys = inputs[:, :, 1]
    zs = inputs[:, :, 2]
    d16 = _tc_dist(xs, ys, zs).reshape(_B * _N * 16, 128)
    p2 = jnp.pad(inputs.reshape(_B * _N, 3), ((0, 0), (0, 125)))
    out = _sc_loop(d16, p2)
    return out[:, :, :3]

# --- scband reference (transcript-rebuilt; emitter-appended) ---
"""Pipeline reference for scband-fps-69595650064384 (READ-ONLY COPY).

The authoritative reference and input builder live on the scoring server;
editing this copy changes nothing except your own understanding.
"""

import jax, jax.numpy as jnp
import numpy as np

SAMPLES = 1024

def setup_inputs(seed: int = 0) -> dict:
    key = jax.random.key(seed)
    inputs = jax.random.normal(key, (4, 2048, 3), dtype=jnp.float32)
    return {"inputs": inputs}

def reference(inputs):
    B, N, _ = inputs.shape
    t1 = inputs[:, None, :, :]
    t2 = inputs[:, :, None, :]
    # euclidean norm over last axis; eps under sqrt only guards grad at 0 (diagonal)
    dist = jnp.sqrt(jnp.maximum(jnp.sum((t1 - t2) ** 2, axis=3), 1e-12))  # [B, N, N]
    batch_idx = jnp.arange(B)
    ds = dist[:, 0, :]  # [B, N]
    idx = jnp.argmax(ds, axis=-1)  # [B]
    first = inputs[batch_idx, idx]  # [B, 3]
    new_ds = dist[batch_idx, idx]  # [B, N]
    ds = jnp.minimum(ds, new_ds)

    def body(carry, _):
        ds_c = carry
        i = jnp.argmax(ds_c, axis=-1)  # [B]
        pts = inputs[batch_idx, i]  # [B, 3]
        nd = dist[batch_idx, i]  # [B, N]
        ds_n = jnp.minimum(ds_c, nd)
        return ds_n, pts

    _, rest = jax.lax.scan(body, ds, None, length=SAMPLES - 1)  # rest: [S-1, B, 3]
    rest = jnp.transpose(rest, (1, 0, 2))  # [B, S-1, 3]
    sampled = jnp.concatenate([first[:, None, :], rest], axis=1)  # [B, SAMPLES, 3]
    return sampled

if __name__ == "__main__":
    import jax
    _d = setup_inputs()
    print(jax.jit(kernel)(*tuple(_d.values())))

</pallas_src>

<mosaic_0001>
#map = affine_map<(d0, d1) -> (0, 0)>
#map1 = affine_map<(d0, d1) -> (0)>
#map2 = affine_map<(d0, d1) -> (0, 0, 0)>
module attributes {stable_mosaic.version = 14 : i64} {
  func.func @_rewritten_body(%arg0: i32, %arg1: i32, %arg2: memref<131072x128xf32, #tpu.memory_space<hbm>>, %arg3: memref<8192x128xf32, #tpu.memory_space<hbm>>, %arg4: memref<1xf32, #tpu.memory_space<hbm>>, %arg5: memref<1xi32, #tpu.memory_space<hbm>>, %arg6: memref<4x1024x128xf32, #tpu.memory_space<hbm>>, %arg7: memref<16x128xf32, #tpu.memory_space<vmem>>, %arg8: memref<16x128xf32, #tpu.memory_space<vmem>>, %arg9: memref<16xi32, #tpu.memory_space<vmem>>, %arg10: memref<1040xi32, #tpu.memory_space<vmem>>, %arg11: memref<128x128xf32, #tpu.memory_space<vmem>>, %arg12: memref<!tpu.dma_semaphore, #tpu.memory_space<semaphore_mem>>) attributes {dimension_semantics = [#tpu.dimension_semantics<core_parallel>, #tpu.dimension_semantics<subcore_parallel>], iteration_bounds = array<i64: 2, 16>, scalar_prefetch = 0 : i64, scratch_operands = 6 : i64, tpu.core_type = #tpu.core_type<sc_vector_subcore>, window_params = [{transform_indices = #map}, {transform_indices = #map}, {transform_indices = #map1}, {transform_indices = #map1}, {transform_indices = #map2}]} {
    %empty_ref3A = memref.alloca() : memref<16xf32, #tpu.memory_space<vmem>>
    %empty_ref3A_0 = memref.alloca() : memref<16xi32, #tpu.memory_space<vmem>>
    "tpu.region"() ({
      %run_scoped3A = tpu.sem_alloc : memref<!tpu.dma_semaphore, #tpu.memory_space<semaphore_mem>>
      %dma_start3A = arith.constant 0 : i32
      %dma_start3A_11 = tpu.memref_slice %empty_ref3A[%dma_start3A] : memref<16xf32, #tpu.memory_space<vmem>> -> memref<1xf32, #tpu.memory_space<vmem>>
      %dma_start3A_12 = arith.constant 0 : i32
      %dma_start3A_13 = tpu.memref_slice %empty_ref3A[%dma_start3A_12] : memref<16xf32, #tpu.memory_space<vmem>> -> memref<1xf32, #tpu.memory_space<vmem>>
      tpu.enqueue_dma source(%arg4 : memref<1xf32, #tpu.memory_space<hbm>>) target(%dma_start3A_13 : memref<1xf32, #tpu.memory_space<vmem>>) target_semaphore(%run_scoped3A : memref<!tpu.dma_semaphore, #tpu.memory_space<semaphore_mem>>)
      %dma_start3A_14 = arith.constant 0 : i32
      %dma_start3A_15 = tpu.memref_slice %empty_ref3A_0[%dma_start3A_14] : memref<16xi32, #tpu.memory_space<vmem>> -> memref<1xi32, #tpu.memory_space<vmem>>
      %dma_start3A_16 = arith.constant 0 : i32
      %dma_start3A_17 = tpu.memref_slice %empty_ref3A_0[%dma_start3A_16] : memref<16xi32, #tpu.memory_space<vmem>> -> memref<1xi32, #tpu.memory_space<vmem>>
      tpu.enqueue_dma source(%arg5 : memref<1xi32, #tpu.memory_space<hbm>>) target(%dma_start3A_17 : memref<1xi32, #tpu.memory_space<vmem>>) target_semaphore(%run_scoped3A : memref<!tpu.dma_semaphore, #tpu.memory_space<semaphore_mem>>)
      %dma_wait3A = arith.constant 0 : i32
      %dma_wait3A_18 = tpu.memref_slice %empty_ref3A[%dma_wait3A] : memref<16xf32, #tpu.memory_space<vmem>> -> memref<1xf32, #tpu.memory_space<vmem>>
      %dma_wait3A_19 = arith.constant 0 : i32
      %dma_wait3A_20 = tpu.memref_slice %empty_ref3A[%dma_wait3A_19] : memref<16xf32, #tpu.memory_space<vmem>> -> memref<1xf32, #tpu.memory_space<vmem>>
      tpu.wait_dma2 semaphore(%run_scoped3A : memref<!tpu.dma_semaphore, #tpu.memory_space<semaphore_mem>>) src(%arg4 : memref<1xf32, #tpu.memory_space<hbm>>) dst(%dma_wait3A_20 : memref<1xf32, #tpu.memory_space<vmem>>)
      %dma_wait3A_21 = arith.constant 0 : i32
      %dma_wait3A_22 = tpu.memref_slice %empty_ref3A_0[%dma_wait3A_21] : memref<16xi32, #tpu.memory_space<vmem>> -> memref<1xi32, #tpu.memory_space<vmem>>
      %dma_wait3A_23 = arith.constant 0 : i32
      %dma_wait3A_24 = tpu.memref_slice %empty_ref3A_0[%dma_wait3A_23] : memref<16xi32, #tpu.memory_space<vmem>> -> memref<1xi32, #tpu.memory_space<vmem>>
      tpu.wait_dma2 semaphore(%run_scoped3A : memref<!tpu.dma_semaphore, #tpu.memory_space<semaphore_mem>>) src(%arg5 : memref<1xi32, #tpu.memory_space<hbm>>) dst(%dma_wait3A_24 : memref<1xi32, #tpu.memory_space<vmem>>)
      tpu.yield
    }) : () -> ()
    %get3A = arith.constant 0 : index
    %get3A_1 = tpu.vector_load %empty_ref3A[%get3A] {strides = array<i32>} : memref<16xf32, #tpu.memory_space<vmem>>, vector<16xf32>,
    %get3A_2 = vector.shape_cast %get3A_1 : vector<16xf32> to vector<16xf32>
    %slice3A = vector.extract_strided_slice %get3A_2 {offsets = [0], sizes = [1], strides = [1]} : vector<16xf32> to vector<1xf32>
    %squeeze3A = vector.extract %slice3A[0] : f32 from vector<1xf32>
    %get3A_3 = arith.constant 0 : index
    %get3A_4 = tpu.vector_load %empty_ref3A_0[%get3A_3] {strides = array<i32>} : memref<16xi32, #tpu.memory_space<vmem>>, vector<16xi32>,
    %get3A_5 = vector.shape_cast %get3A_4 : vector<16xi32> to vector<16xi32>
    %slice3A_6 = vector.extract_strided_slice %get3A_5 {offsets = [0], sizes = [1], strides = [1]} : vector<16xi32> to vector<1xi32>
    %squeeze3A_7 = vector.extract %slice3A_6[0] : i32 from vector<1xi32>
    %mul3A = arith.constant 2 : i32
    %mul3A_8 = arith.muli %arg1, %mul3A : i32
    %add3A = arith.addi %mul3A_8, %arg0 : i32
    %lt3A = arith.constant 4 : i32
    %lt3A_9 = arith.cmpi slt, %add3A, %lt3A : i32
    %convert_element_type3A = arith.extui %lt3A_9 : i1 to i32
    %cond3A = arith.constant 0 : i32
    %cond3A_10 = arith.cmpi ne, %convert_element_type3A, %cond3A : i32
    scf.if %cond3A_10 {
      %mul3A_11 = arith.constant 2048 : i32
      %mul3A_12 = arith.muli %add3A, %mul3A_11 : i32
      %iota3A = tpu.iota {dimensions = array<i32: 0>} : vector<16xi32>
      %scan3A = arith.constant 0 : i32
      %scan3A_13 = arith.constant 0 : i32
      %scan3A_14 = arith.constant 8 : i32
      %scan3A_15 = arith.addi %scan3A_13, %scan3A_14 : i32
      %scan3A_16 = arith.constant 1 : i32
      %scan3A_17 = scf.for %scan3A_117 = %scan3A_13 to %scan3A_15 step %scan3A_16 iter_args(%scan3A_118 = %scan3A) -> (i32)  : i32 {
        %mul3A_119 = arith.constant 16 : i32
        %mul3A_120 = arith.muli %scan3A_117, %mul3A_119 : i32
        %broadcast_in_dim3A = arith.constant 0x7F800000 : f32
        %broadcast_in_dim3A_121 = vector.broadcast %broadcast_in_dim3A : f32 to vector<16xf32>
        %swap3A_122 = arith.constant 0 : i32
        %swap3A_123 = arith.index_cast %swap3A_122 : i32 to index
        %swap3A_124 = arith.index_cast %mul3A_120 : i32 to index
        %swap3A_125 = tpu.vector_load %arg7[%swap3A_123, %swap3A_124] {strides = array<i32>} : memref<16x128xf32, #tpu.memory_space<vmem>>, vector<1x16xf32>,
        %swap3A_126 = vector.shape_cast %swap3A_125 : vector<1x16xf32> to vector<16xf32>
        %swap3A_127 = vector.shape_cast %broadcast_in_dim3A_121 : vector<16xf32> to vector<1x16xf32>
        tpu.vector_store %arg7[%swap3A_123, %swap3A_124], %swap3A_127 {strides = array<i32>} : memref<16x128xf32, #tpu.memory_space<vmem>>, vector<1x16xf32>,
        %swap3A_128 = arith.constant 1 : i32
        %swap3A_129 = arith.index_cast %swap3A_128 : i32 to index
        %swap3A_130 = arith.index_cast %mul3A_120 : i32 to index
        %swap3A_131 = tpu.vector_load %arg7[%swap3A_129, %swap3A_130] {strides = array<i32>} : memref<16x128xf32, #tpu.memory_space<vmem>>, vector<1x16xf32>,
        %swap3A_132 = vector.shape_cast %swap3A_131 : vector<1x16xf32> to vector<16xf32>
        %swap3A_133 = vector.shape_cast %broadcast_in_dim3A_121 : vector<16xf32> to vector<1x16xf32>
        tpu.vector_store %arg7[%swap3A_129, %swap3A_130], %swap3A_133 {strides = array<i32>} : memref<16x128xf32, #tpu.memory_space<vmem>>, vector<1x16xf32>,
        %swap3A_134 = arith.constant 2 : i32
        %swap3A_135 = arith.index_cast %swap3A_134 : i32 to index
        %swap3A_136 = arith.index_cast %mul3A_120 : i32 to index
        %swap3A_137 = tpu.vector_load %arg7[%swap3A_135, %swap3A_136] {strides = array<i32>} : memref<16x128xf32, #tpu.memory_space<vmem>>, vector<1x16xf32>,
        %swap3A_138 = vector.shape_cast %swap3A_137 : vector<1x16xf32> to vector<16xf32>
        %swap3A_139 = vector.shape_cast %broadcast_in_dim3A_121 : vector<16xf32> to vector<1x16xf32>
        tpu.vector_store %arg7[%swap3A_135, %swap3A_136], %swap3A_139 {strides = array<i32>} : memref<16x128xf32, #tpu.memory_space<vmem>>, vector<1x16xf32>,
        %swap3A_140 = arith.constant 3 : i32
        %swap3A_141 = arith.index_cast %swap3A_140 : i32 to index
        %swap3A_142 = arith.index_cast %mul3A_120 : i32 to index
        %swap3A_143 = tpu.vector_load %arg7[%swap3A_141, %swap3A_142] {strides = array<i32>} : memref<16x128xf32, #tpu.memory_space<vmem>>, vector<1x16xf32>,
        %swap3A_144 = vector.shape_cast %swap3A_143 : vector<1x16xf32> to vector<16xf32>
        %swap3A_145 = vector.shape_cast %broadcast_in_dim3A_121 : vector<16xf32> to vector<1x16xf32>
        tpu.vector_store %arg7[%swap3A_141, %swap3A_142], %swap3A_145 {strides = array<i32>} : memref<16x128xf32, #tpu.memory_space<vmem>>, vector<1x16xf32>,
        %swap3A_146 = arith.constant 4 : i32
        %swap3A_147 = arith.index_cast %swap3A_146 : i32 to index
        %swap3A_148 = arith.index_cast %mul3A_120 : i32 to index
        %swap3A_149 = tpu.vector_load %arg7[%swap3A_147, %swap3A_148] {strides = array<i32>} : memref<16x128xf32, #tpu.memory_space<vmem>>, vector<1x16xf32>,
        %swap3A_150 = vector.shape_cast %swap3A_149 : vector<1x16xf32> to vector<16xf32>
        %swap3A_151 = vector.shape_cast %broadcast_in_dim3A_121 : vector<16xf32> to vector<1x16xf32>
        tpu.vector_store %arg7[%swap3A_147, %swap3A_148], %swap3A_151 {strides = array<i32>} : memref<16x128xf32, #tpu.memory_space<vmem>>, vector<1x16xf32>,
        %swap3A_152 = arith.constant 5 : i32
        %swap3A_153 = arith.index_cast %swap3A_152 : i32 to index
        %swap3A_154 = arith.index_cast %mul3A_120 : i32 to index
        %swap3A_155 = tpu.vector_load %arg7[%swap3A_153, %swap3A_154] {strides = array<i32>} : memref<16x128xf32, #tpu.memory_space<vmem>>, vector<1x16xf32>,
        %swap3A_156 = vector.shape_cast %swap3A_155 : vector<1x16xf32> to vector<16xf32>
        %swap3A_157 = vector.shape_cast %broadcast_in_dim3A_121 : vector<16xf32> to vector<1x16xf32>
        tpu.vector_store %arg7[%swap3A_153, %swap3A_154], %swap3A_157 {strides = array<i32>} : memref<16x128xf32, #tpu.memory_space<vmem>>, vector<1x16xf32>,
        %swap3A_158 = arith.constant 6 : i32
        %swap3A_159 = arith.index_cast %swap3A_158 : i32 to index
        %swap3A_160 = arith.index_cast %mul3A_120 : i32 to index
        %swap3A_161 = tpu.vector_load %arg7[%swap3A_159, %swap3A_160] {strides = array<i32>} : memref<16x128xf32, #tpu.memory_space<vmem>>, vector<1x16xf32>,
        %swap3A_162 = vector.shape_cast %swap3A_161 : vector<1x16xf32> to vector<16xf32>
        %swap3A_163 = vector.shape_cast %broadcast_in_dim3A_121 : vector<16xf32> to vector<1x16xf32>
        tpu.vector_store %arg7[%swap3A_159, %swap3A_160], %swap3A_163 {strides = array<i32>} : memref<16x128xf32, #tpu.memory_space<vmem>>, vector<1x16xf32>,
        %swap3A_164 = arith.constant 7 : i32
        %swap3A_165 = arith.index_cast %swap3A_164 : i32 to index
        %swap3A_166 = arith.index_cast %mul3A_120 : i32 to index
        %swap3A_167 = tpu.vector_load %arg7[%swap3A_165, %swap3A_166] {strides = array<i32>} : memref<16x128xf32, #tpu.memory_space<vmem>>, vector<1x16xf32>,
        %swap3A_168 = vector.shape_cast %swap3A_167 : vector<1x16xf32> to vector<16xf32>
        %swap3A_169 = vector.shape_cast %broadcast_in_dim3A_121 : vector<16xf32> to vector<1x16xf32>
        tpu.vector_store %arg7[%swap3A_165, %swap3A_166], %swap3A_169 {strides = array<i32>} : memref<16x128xf32, #tpu.memory_space<vmem>>, vector<1x16xf32>,
        %swap3A_170 = arith.constant 8 : i32
        %swap3A_171 = arith.index_cast %swap3A_170 : i32 to index
        %swap3A_172 = arith.index_cast %mul3A_120 : i32 to index
        %swap3A_173 = tpu.vector_load %arg7[%swap3A_171, %swap3A_172] {strides = array<i32>} : memref<16x128xf32, #tpu.memory_space<vmem>>, vector<1x16xf32>,
        %swap3A_174 = vector.shape_cast %swap3A_173 : vector<1x16xf32> to vector<16xf32>
        %swap3A_175 = vector.shape_cast %broadcast_in_dim3A_121 : vector<16xf32> to vector<1x16xf32>
        tpu.vector_store %arg7[%swap3A_171, %swap3A_172], %swap3A_175 {strides = array<i32>} : memref<16x128xf32, #tpu.memory_space<vmem>>, vector<1x16xf32>,
        %swap3A_176 = arith.constant 9 : i32
        %swap3A_177 = arith.index_cast %swap3A_176 : i32 to index
        %swap3A_178 = arith.index_cast %mul3A_120 : i32 to index
        %swap3A_179 = tpu.vector_load %arg7[%swap3A_177, %swap3A_178] {strides = array<i32>} : memref<16x128xf32, #tpu.memory_space<vmem>>, vector<1x16xf32>,
        %swap3A_180 = vector.shape_cast %swap3A_179 : vector<1x16xf32> to vector<16xf32>
        %swap3A_181 = vector.shape_cast %broadcast_in_dim3A_121 : vector<16xf32> to vector<1x16xf32>
        tpu.vector_store %arg7[%swap3A_177, %swap3A_178], %swap3A_181 {strides = array<i32>} : memref<16x128xf32, #tpu.memory_space<vmem>>, vector<1x16xf32>,
        %swap3A_182 = arith.constant 10 : i32
        %swap3A_183 = arith.index_cast %swap3A_182 : i32 to index
        %swap3A_184 = arith.index_cast %mul3A_120 : i32 to index
        %swap3A_185 = tpu.vector_load %arg7[%swap3A_183, %swap3A_184] {strides = array<i32>} : memref<16x128xf32, #tpu.memory_space<vmem>>, vector<1x16xf32>,
        %swap3A_186 = vector.shape_cast %swap3A_185 : vector<1x16xf32> to vector<16xf32>
        %swap3A_187 = vector.shape_cast %broadcast_in_dim3A_121 : vector<16xf32> to vector<1x16xf32>
        tpu.vector_store %arg7[%swap3A_183, %swap3A_184], %swap3A_187 {strides = array<i32>} : memref<16x128xf32, #tpu.memory_space<vmem>>, vector<1x16xf32>,
        %swap3A_188 = arith.constant 11 : i32
        %swap3A_189 = arith.index_cast %swap3A_188 : i32 to index
        %swap3A_190 = arith.index_cast %mul3A_120 : i32 to index
        %swap3A_191 = tpu.vector_load %arg7[%swap3A_189, %swap3A_190] {strides = array<i32>} : memref<16x128xf32, #tpu.memory_space<vmem>>, vector<1x16xf32>,
        %swap3A_192 = vector.shape_cast %swap3A_191 : vector<1x16xf32> to vector<16xf32>
        %swap3A_193 = vector.shape_cast %broadcast_in_dim3A_121 : vector<16xf32> to vector<1x16xf32>
        tpu.vector_store %arg7[%swap3A_189, %swap3A_190], %swap3A_193 {strides = array<i32>} : memref<16x128xf32, #tpu.memory_space<vmem>>, vector<1x16xf32>,
        %swap3A_194 = arith.constant 12 : i32
        %swap3A_195 = arith.index_cast %swap3A_194 : i32 to index
        %swap3A_196 = arith.index_cast %mul3A_120 : i32 to index
        %swap3A_197 = tpu.vector_load %arg7[%swap3A_195, %swap3A_196] {strides = array<i32>} : memref<16x128xf32, #tpu.memory_space<vmem>>, vector<1x16xf32>,
        %swap3A_198 = vector.shape_cast %swap3A_197 : vector<1x16xf32> to vector<16xf32>
        %swap3A_199 = vector.shape_cast %broadcast_in_dim3A_121 : vector<16xf32> to vector<1x16xf32>
        tpu.vector_store %arg7[%swap3A_195, %swap3A_196], %swap3A_199 {strides = array<i32>} : memref<16x128xf32, #tpu.memory_space<vmem>>, vector<1x16xf32>,
        %swap3A_200 = arith.constant 13 : i32
        %swap3A_201 = arith.index_cast %swap3A_200 : i32 to index
        %swap3A_202 = arith.index_cast %mul3A_120 : i32 to index
        %swap3A_203 = tpu.vector_load %arg7[%swap3A_201, %swap3A_202] {strides = array<i32>} : memref<16x128xf32, #tpu.memory_space<vmem>>, vector<1x16xf32>,
        %swap3A_204 = vector.shape_cast %swap3A_203 : vector<1x16xf32> to vector<16xf32>
        %swap3A_205 = vector.shape_cast %broadcast_in_dim3A_121 : vector<16xf32> to vector<1x16xf32>
        tpu.vector_store %arg7[%swap3A_201, %swap3A_202], %swap3A_205 {strides = array<i32>} : memref<16x128xf32, #tpu.memory_space<vmem>>, vector<1x16xf32>,
        %swap3A_206 = arith.constant 14 : i32
        %swap3A_207 = arith.index_cast %swap3A_206 : i32 to index
        %swap3A_208 = arith.index_cast %mul3A_120 : i32 to index
        %swap3A_209 = tpu.vector_load %arg7[%swap3A_207, %swap3A_208] {strides = array<i32>} : memref<16x128xf32, #tpu.memory_space<vmem>>, vector<1x16xf32>,
        %swap3A_210 = vector.shape_cast %swap3A_209 : vector<1x16xf32> to vector<16xf32>
        %swap3A_211 = vector.shape_cast %broadcast_in_dim3A_121 : vector<16xf32> to vector<1x16xf32>
        tpu.vector_store %arg7[%swap3A_207, %swap3A_208], %swap3A_211 {strides = array<i32>} : memref<16x128xf32, #tpu.memory_space<vmem>>, vector<1x16xf32>,
        %swap3A_212 = arith.constant 15 : i32
        %swap3A_213 = arith.index_cast %swap3A_212 : i32 to index
        %swap3A_214 = arith.index_cast %mul3A_120 : i32 to index
        %swap3A_215 = tpu.vector_load %arg7[%swap3A_213, %swap3A_214] {strides = array<i32>} : memref<16x128xf32, #tpu.memory_space<vmem>>, vector<1x16xf32>,
        %swap3A_216 = vector.shape_cast %swap3A_215 : vector<1x16xf32> to vector<16xf32>
        %swap3A_217 = vector.shape_cast %broadcast_in_dim3A_121 : vector<16xf32> to vector<1x16xf32>
        tpu.vector_store %arg7[%swap3A_213, %swap3A_214], %swap3A_217 {strides = array<i32>} : memref<16x128xf32, #tpu.memory_space<vmem>>, vector<1x16xf32>,
        %scan3A_218 = arith.constant 0 : i32
        scf.yield %scan3A_218 : i32
      }
      %scan3A_18 = arith.constant 8 : i32
      %mul3A_19 = arith.constant 16 : i32
      %mul3A_20 = arith.muli %mul3A_12, %mul3A_19 : i32
      %add3A_21 = vector.broadcast %mul3A_20 : i32 to vector<16xi32>
      %add3A_22 = arith.addi %add3A_21, %iota3A : vector<16xi32>
      %swap3A = arith.constant 0 : index
      %swap3A_23 = tpu.vector_load %arg9[%swap3A] {strides = array<i32>} : memref<16xi32, #tpu.memory_space<vmem>>, vector<16xi32>,
      %swap3A_24 = vector.shape_cast %swap3A_23 : vector<16xi32> to vector<16xi32>
      %swap3A_25 = vector.shape_cast %add3A_22 : vector<16xi32> to vector<16xi32>
      tpu.vector_store %arg9[%swap3A], %swap3A_25 {strides = array<i32>} : memref<16xi32, #tpu.memory_space<vmem>>, vector<16xi32>,
      %dma_start3A = arith.constant 0 : i32
      %dma_start3A_26 = arith.constant 0 : i32
      %dma_start3A_27 = tpu.memref_slice %arg2[%dma_start3A, %dma_start3A_26] : memref<131072x128xf32, #tpu.memory_space<hbm>> -> memref<131072x128xf32, #tpu.memory_space<hbm>>
      tpu.enqueue_indirect_dma source(%dma_start3A_27 : memref<131072x128xf32, #tpu.memory_space<hbm>>) target(%arg8 : memref<16x128xf32, #tpu.memory_space<vmem>>) offsets(%arg9 : memref<16xi32, #tpu.memory_space<vmem>>) semaphore(%arg12 : memref<!tpu.dma_semaphore, #tpu.memory_space<semaphore_mem>>)
      %dma_wait3A = arith.constant 0 : i32
      %dma_wait3A_28 = arith.constant 0 : i32
      %dma_wait3A_29 = tpu.memref_slice %arg2[%dma_wait3A, %dma_wait3A_28] : memref<131072x128xf32, #tpu.memory_space<hbm>> -> memref<131072x128xf32, #tpu.memory_space<hbm>>
      tpu.wait_indirect_dma semaphore(%arg12 : memref<!tpu.dma_semaphore, #tpu.memory_space<semaphore_mem>>) src(%dma_wait3A_29 : memref<131072x128xf32, #tpu.memory_space<hbm>>) dst(%arg8 : memref<16x128xf32, #tpu.memory_space<vmem>>)
      %scan3A_30 = arith.constant 0 : i32
      %scan3A_31 = arith.constant 0 : i32
      %scan3A_32 = arith.constant 1024 : i32
      %scan3A_33 = arith.addi %scan3A_31, %scan3A_32 : i32
      %scan3A_34 = arith.constant 1 : i32
      %scan3A_35 = scf.for %scan3A_117 = %scan3A_31 to %scan3A_33 step %scan3A_34 iter_args(%scan3A_118 = %scan3A_30) -> (i32)  : i32 {
        %broadcast_in_dim3A = vector.broadcast %squeeze3A : f32 to vector<16xf32>
        %broadcast_in_dim3A_119 = vector.broadcast %squeeze3A_7 : i32 to vector<16xi32>
        %scan3A_120 = arith.constant 0 : i32
        %scan3A_121 = arith.constant 8 : i32
        %scan3A_122 = arith.addi %scan3A_120, %scan3A_121 : i32
        %scan3A_123 = arith.constant 1 : i32
        %scan3A_124:2 = scf.for %scan3A_289 = %scan3A_120 to %scan3A_122 step %scan3A_123 iter_args(%scan3A_290 = %broadcast_in_dim3A, %scan3A_291 = %broadcast_in_dim3A_119) -> (vector<16xf32>, vector<16xi32>)  : i32 {
          %mul3A_292 = arith.constant 16 : i32
          %mul3A_293 = arith.muli %scan3A_289, %mul3A_292 : i32
          %get3A_294 = arith.constant 0 : i32
          %get3A_295 = arith.index_cast %get3A_294 : i32 to index
          %get3A_296 = arith.index_cast %mul3A_293 : i32 to index
          %get3A_297 = tpu.vector_load %arg7[%get3A_295, %get3A_296] {strides = array<i32>} : memref<16x128xf32, #tpu.memory_space<vmem>>, vector<1x16xf32>,
          %get3A_298 = vector.shape_cast %get3A_297 : vector<1x16xf32> to vector<16xf32>
          %get3A_299 = arith.constant 0 : i32
          %get3A_300 = arith.index_cast %get3A_299 : i32 to index
          %get3A_301 = arith.index_cast %mul3A_293 : i32 to index
          %get3A_302 = tpu.vector_load %arg8[%get3A_300, %get3A_301] {strides = array<i32>} : memref<16x128xf32, #tpu.memory_space<vmem>>, vector<1x16xf32>,
          %get3A_303 = vector.shape_cast %get3A_302 : vector<1x16xf32> to vector<16xf32>
          %min3A_304 = arith.minimumf %get3A_298, %get3A_303 : vector<16xf32>
          %swap3A_305 = arith.constant 0 : i32
          %swap3A_306 = arith.index_cast %swap3A_305 : i32 to index
          %swap3A_307 = arith.index_cast %mul3A_293 : i32 to index
          %swap3A_308 = tpu.vector_load %arg7[%swap3A_306, %swap3A_307] {strides = array<i32>} : memref<16x128xf32, #tpu.memory_space<vmem>>, vector<1x16xf32>,
          %swap3A_309 = vector.shape_cast %swap3A_308 : vector<1x16xf32> to vector<16xf32>
          %swap3A_310 = vector.shape_cast %min3A_304 : vector<16xf32> to vector<1x16xf32>
          tpu.vector_store %arg7[%swap3A_306, %swap3A_307], %swap3A_310 {strides = array<i32>} : memref<16x128xf32, #tpu.memory_space<vmem>>, vector<1x16xf32>,
          %gt3A = arith.cmpf ogt, %min3A_304, %scan3A_290 : vector<16xf32>
          %add3A_311 = arith.constant 0 : i32
          %add3A_312 = vector.broadcast %add3A_311 : i32 to vector<16xi32>
          %add3A_313 = arith.addi %iota3A, %add3A_312 : vector<16xi32>
          %mul3A_314 = arith.constant 16 : i32
          %mul3A_315 = arith.muli %scan3A_289, %mul3A_314 : i32
          %add3A_316 = vector.broadcast %mul3A_315 : i32 to vector<16xi32>
          %add3A_317 = arith.addi %add3A_313, %add3A_316 : vector<16xi32>
          %select_n3A_318 = arith.select %gt3A, %min3A_304, %scan3A_290 : vector<16xi1>, vector<16xf32>
          %select_n3A_319 = arith.select %gt3A, %add3A_317, %scan3A_291 : vector<16xi1>, vector<16xi32>
          scf.yield %select_n3A_318, %select_n3A_319 : vector<16xf32>, vector<16xi32>
        }
        %scan3A_125 = arith.constant 8 : i32
        %scan3A_126 = arith.constant 0 : i32
        %scan3A_127 = arith.constant 8 : i32
        %scan3A_128 = arith.addi %scan3A_126, %scan3A_127 : i32
        %scan3A_129 = arith.constant 1 : i32
        %scan3A_130:2 = scf.for %scan3A_289 = %scan3A_126 to %scan3A_128 step %scan3A_129 iter_args(%scan3A_290 = %scan3A_124#0, %scan3A_291 = %scan3A_124#1) -> (vector<16xf32>, vector<16xi32>)  : i32 {
          %mul3A_292 = arith.constant 16 : i32
          %mul3A_293 = arith.muli %scan3A_289, %mul3A_292 : i32
          %get3A_294 = arith.constant 1 : i32
          %get3A_295 = arith.index_cast %get3A_294 : i32 to index
          %get3A_296 = arith.index_cast %mul3A_293 : i32 to index
          %get3A_297 = tpu.vector_load %arg7[%get3A_295, %get3A_296] {strides = array<i32>} : memref<16x128xf32, #tpu.memory_space<vmem>>, vector<1x16xf32>,
          %get3A_298 = vector.shape_cast %get3A_297 : vector<1x16xf32> to vector<16xf32>
          %get3A_299 = arith.constant 1 : i32
          %get3A_300 = arith.index_cast %get3A_299 : i32 to index
          %get3A_301 = arith.index_cast %mul3A_293 : i32 to index
          %get3A_302 = tpu.vector_load %arg8[%get3A_300, %get3A_301] {strides = array<i32>} : memref<16x128xf32, #tpu.memory_space<vmem>>, vector<1x16xf32>,
          %get3A_303 = vector.shape_cast %get3A_302 : vector<1x16xf32> to vector<16xf32>
          %min3A_304 = arith.minimumf %get3A_298, %get3A_303 : vector<16xf32>
          %swap3A_305 = arith.constant 1 : i32
          %swap3A_306 = arith.index_cast %swap3A_305 : i32 to index
          %swap3A_307 = arith.index_cast %mul3A_293 : i32 to index
          %swap3A_308 = tpu.vector_load %arg7[%swap3A_306, %swap3A_307] {strides = array<i32>} : memref<16x128xf32, #tpu.memory_space<vmem>>, vector<1x16xf32>,
          %swap3A_309 = vector.shape_cast %swap3A_308 : vector<1x16xf32> to vector<16xf32>
          %swap3A_310 = vector.shape_cast %min3A_304 : vector<16xf32> to vector<1x16xf32>
          tpu.vector_store %arg7[%swap3A_306, %swap3A_307], %swap3A_310 {strides = array<i32>} : memref<16x128xf32, #tpu.memory_space<vmem>>, vector<1x16xf32>,
          %gt3A = arith.cmpf ogt, %min3A_304, %scan3A_290 : vector<16xf32>
          %add3A_311 = arith.constant 128 : i32
          %add3A_312 = vector.broadcast %add3A_311 : i32 to vector<16xi32>
          %add3A_313 = arith.addi %iota3A, %add3A_312 : vector<16xi32>
          %mul3A_314 = arith.constant 16 : i32
          %mul3A_315 = arith.muli %scan3A_289, %mul3A_314 : i32
          %add3A_316 = vector.broadcast %mul3A_315 : i32 to vector<16xi32>
          %add3A_317 = arith.addi %add3A_313, %add3A_316 : vector<16xi32>
          %select_n3A_318 = arith.select %gt3A, %min3A_304, %scan3A_290 : vector<16xi1>, vector<16xf32>
          %select_n3A_319 = arith.select %gt3A, %add3A_317, %scan3A_291 : vector<16xi1>, vector<16xi32>
          scf.yield %select_n3A_318, %select_n3A_319 : vector<16xf32>, vector<16xi32>
        }
        %scan3A_131 = arith.constant 8 : i32
        %scan3A_132 = arith.constant 0 : i32
        %scan3A_133 = arith.constant 8 : i32
        %scan3A_134 = arith.addi %scan3A_132, %scan3A_133 : i32
        %scan3A_135 = arith.constant 1 : i32
        %scan3A_136:2 = scf.for %scan3A_289 = %scan3A_132 to %scan3A_134 step %scan3A_135 iter_args(%scan3A_290 = %scan3A_130#0, %scan3A_291 = %scan3A_130#1) -> (vector<16xf32>, vector<16xi32>)  : i32 {
          %mul3A_292 = arith.constant 16 : i32
          %mul3A_293 = arith.muli %scan3A_289, %mul3A_292 : i32
          %get3A_294 = arith.constant 2 : i32
          %get3A_295 = arith.index_cast %get3A_294 : i32 to index
          %get3A_296 = arith.index_cast %mul3A_293 : i32 to index
          %get3A_297 = tpu.vector_load %arg7[%get3A_295, %get3A_296] {strides = array<i32>} : memref<16x128xf32, #tpu.memory_space<vmem>>, vector<1x16xf32>,
          %get3A_298 = vector.shape_cast %get3A_297 : vector<1x16xf32> to vector<16xf32>
          %get3A_299 = arith.constant 2 : i32
          %get3A_300 = arith.index_cast %get3A_299 : i32 to index
          %get3A_301 = arith.index_cast %mul3A_293 : i32 to index
          %get3A_302 = tpu.vector_load %arg8[%get3A_300, %get3A_301] {strides = array<i32>} : memref<16x128xf32, #tpu.memory_space<vmem>>, vector<1x16xf32>,
          %get3A_303 = vector.shape_cast %get3A_302 : vector<1x16xf32> to vector<16xf32>
          %min3A_304 = arith.minimumf %get3A_298, %get3A_303 : vector<16xf32>
          %swap3A_305 = arith.constant 2 : i32
          %swap3A_306 = arith.index_cast %swap3A_305 : i32 to index
          %swap3A_307 = arith.index_cast %mul3A_293 : i32 to index
          %swap3A_308 = tpu.vector_load %arg7[%swap3A_306, %swap3A_307] {strides = array<i32>} : memref<16x128xf32, #tpu.memory_space<vmem>>, vector<1x16xf32>,
          %swap3A_309 = vector.shape_cast %swap3A_308 : vector<1x16xf32> to vector<16xf32>
          %swap3A_310 = vector.shape_cast %min3A_304 : vector<16xf32> to vector<1x16xf32>
          tpu.vector_store %arg7[%swap3A_306, %swap3A_307], %swap3A_310 {strides = array<i32>} : memref<16x128xf32, #tpu.memory_space<vmem>>, vector<1x16xf32>,
          %gt3A = arith.cmpf ogt, %min3A_304, %scan3A_290 : vector<16xf32>
          %add3A_311 = arith.constant 256 : i32
          %add3A_312 = vector.broadcast %add3A_311 : i32 to vector<16xi32>
          %add3A_313 = arith.addi %iota3A, %add3A_312 : vector<16xi32>
          %mul3A_314 = arith.constant 16 : i32
          %mul3A_315 = arith.muli %scan3A_289, %mul3A_314 : i32
          %add3A_316 = vector.broadcast %mul3A_315 : i32 to vector<16xi32>
          %add3A_317 = arith.addi %add3A_313, %add3A_316 : vector<16xi32>
          %select_n3A_318 = arith.select %gt3A, %min3A_304, %scan3A_290 : vector<16xi1>, vector<16xf32>
          %select_n3A_319 = arith.select %gt3A, %add3A_317, %scan3A_291 : vector<16xi1>, vector<16xi32>
          scf.yield %select_n3A_318, %select_n3A_319 : vector<16xf32>, vector<16xi32>
        }
        %scan3A_137 = arith.constant 8 : i32
        %scan3A_138 = arith.constant 0 : i32
        %scan3A_139 = arith.constant 8 : i32
        %scan3A_140 = arith.addi %scan3A_138, %scan3A_139 : i32
        %scan3A_141 = arith.constant 1 : i32
        %scan3A_142:2 = scf.for %scan3A_289 = %scan3A_138 to %scan3A_140 step %scan3A_141 iter_args(%scan3A_290 = %scan3A_136#0, %scan3A_291 = %scan3A_136#1) -> (vector<16xf32>, vector<16xi32>)  : i32 {
          %mul3A_292 = arith.constant 16 : i32
          %mul3A_293 = arith.muli %scan3A_289, %mul3A_292 : i32
          %get3A_294 = arith.constant 3 : i32
          %get3A_295 = arith.index_cast %get3A_294 : i32 to index
          %get3A_296 = arith.index_cast %mul3A_293 : i32 to index
          %get3A_297 = tpu.vector_load %arg7[%get3A_295, %get3A_296] {strides = array<i32>} : memref<16x128xf32, #tpu.memory_space<vmem>>, vector<1x16xf32>,
          %get3A_298 = vector.shape_cast %get3A_297 : vector<1x16xf32> to vector<16xf32>
          %get3A_299 = arith.constant 3 : i32
          %get3A_300 = arith.index_cast %get3A_299 : i32 to index
          %get3A_301 = arith.index_cast %mul3A_293 : i32 to index
          %get3A_302 = tpu.vector_load %arg8[%get3A_300, %get3A_301] {strides = array<i32>} : memref<16x128xf32, #tpu.memory_space<vmem>>, vector<1x16xf32>,
          %get3A_303 = vector.shape_cast %get3A_302 : vector<1x16xf32> to vector<16xf32>
          %min3A_304 = arith.minimumf %get3A_298, %get3A_303 : vector<16xf32>
          %swap3A_305 = arith.constant 3 : i32
          %swap3A_306 = arith.index_cast %swap3A_305 : i32 to index
          %swap3A_307 = arith.index_cast %mul3A_293 : i32 to index
          %swap3A_308 = tpu.vector_load %arg7[%swap3A_306, %swap3A_307] {strides = array<i32>} : memref<16x128xf32, #tpu.memory_space<vmem>>, vector<1x16xf32>,
          %swap3A_309 = vector.shape_cast %swap3A_308 : vector<1x16xf32> to vector<16xf32>
          %swap3A_310 = vector.shape_cast %min3A_304 : vector<16xf32> to vector<1x16xf32>
          tpu.vector_store %arg7[%swap3A_306, %swap3A_307], %swap3A_310 {strides = array<i32>} : memref<16x128xf32, #tpu.memory_space<vmem>>, vector<1x16xf32>,
          %gt3A = arith.cmpf ogt, %min3A_304, %scan3A_290 : vector<16xf32>
          %add3A_311 = arith.constant 384 : i32
          %add3A_312 = vector.broadcast %add3A_311 : i32 to vector<16xi32>
          %add3A_313 = arith.addi %iota3A, %add3A_312 : vector<16xi32>
          %mul3A_314 = arith.constant 16 : i32
          %mul3A_315 = arith.muli %scan3A_289, %mul3A_314 : i32
          %add3A_316 = vector.broadcast %mul3A_315 : i32 to vector<16xi32>
          %add3A_317 = arith.addi %add3A_313, %add3A_316 : vector<16xi32>
          %select_n3A_318 = arith.select %gt3A, %min3A_304, %scan3A_290 : vector<16xi1>, vector<16xf32>
          %select_n3A_319 = arith.select %gt3A, %add3A_317, %scan3A_291 : vector<16xi1>, vector<16xi32>
          scf.yield %select_n3A_318, %select_n3A_319 : vector<16xf32>, vector<16xi32>
        }
        %scan3A_143 = arith.constant 8 : i32
        %scan3A_144 = arith.constant 0 : i32
        %scan3A_145 = arith.constant 8 : i32
        %scan3A_146 = arith.addi %scan3A_144, %scan3A_145 : i32
        %scan3A_147 = arith.constant 1 : i32
        %scan3A_148:2 = scf.for %scan3A_289 = %scan3A_144 to %scan3A_146 step %scan3A_147 iter_args(%scan3A_290 = %scan3A_142#0, %scan3A_291 = %scan3A_142#1) -> (vector<16xf32>, vector<16xi32>)  : i32 {
          %mul3A_292 = arith.constant 16 : i32
          %mul3A_293 = arith.muli %scan3A_289, %mul3A_292 : i32
          %get3A_294 = arith.constant 4 : i32
          %get3A_295 = arith.index_cast %get3A_294 : i32 to index
          %get3A_296 = arith.index_cast %mul3A_293 : i32 to index
          %get3A_297 = tpu.vector_load %arg7[%get3A_295, %get3A_296] {strides = array<i32>} : memref<16x128xf32, #tpu.memory_space<vmem>>, vector<1x16xf32>,
          %get3A_298 = vector.shape_cast %get3A_297 : vector<1x16xf32> to vector<16xf32>
          %get3A_299 = arith.constant 4 : i32
          %get3A_300 = arith.index_cast %get3A_299 : i32 to index
          %get3A_301 = arith.index_cast %mul3A_293 : i32 to index
          %get3A_302 = tpu.vector_load %arg8[%get3A_300, %get3A_301] {strides = array<i32>} : memref<16x128xf32, #tpu.memory_space<vmem>>, vector<1x16xf32>,
          %get3A_303 = vector.shape_cast %get3A_302 : vector<1x16xf32> to vector<16xf32>
          %min3A_304 = arith.minimumf %get3A_298, %get3A_303 : vector<16xf32>
          %swap3A_305 = arith.constant 4 : i32
          %swap3A_306 = arith.index_cast %swap3A_305 : i32 to index
          %swap3A_307 = arith.index_cast %mul3A_293 : i32 to index
          %swap3A_308 = tpu.vector_load %arg7[%swap3A_306, %swap3A_307] {strides = array<i32>} : memref<16x128xf32, #tpu.memory_space<vmem>>, vector<1x16xf32>,
          %swap3A_309 = vector.shape_cast %swap3A_308 : vector<1x16xf32> to vector<16xf32>
          %swap3A_310 = vector.shape_cast %min3A_304 : vector<16xf32> to vector<1x16xf32>
          tpu.vector_store %arg7[%swap3A_306, %swap3A_307], %swap3A_310 {strides = array<i32>} : memref<16x128xf32, #tpu.memory_space<vmem>>, vector<1x16xf32>,
          %gt3A = arith.cmpf ogt, %min3A_304, %scan3A_290 : vector<16xf32>
          %add3A_311 = arith.constant 512 : i32
          %add3A_312 = vector.broadcast %add3A_311 : i32 to vector<16xi32>
          %add3A_313 = arith.addi %iota3A, %add3A_312 : vector<16xi32>
          %mul3A_314 = arith.constant 16 : i32
          %mul3A_315 = arith.muli %scan3A_289, %mul3A_314 : i32
          %add3A_316 = vector.broadcast %mul3A_315 : i32 to vector<16xi32>
          %add3A_317 = arith.addi %add3A_313, %add3A_316 : vector<16xi32>
          %select_n3A_318 = arith.select %gt3A, %min3A_304, %scan3A_290 : vector<16xi1>, vector<16xf32>
          %select_n3A_319 = arith.select %gt3A, %add3A_317, %scan3A_291 : vector<16xi1>, vector<16xi32>
          scf.yield %select_n3A_318, %select_n3A_319 : vector<16xf32>, vector<16xi32>
        }
        %scan3A_149 = arith.constant 8 : i32
        %scan3A_150 = arith.constant 0 : i32
        %scan3A_151 = arith.constant 8 : i32
        %scan3A_152 = arith.addi %scan3A_150, %scan3A_151 : i32
        %scan3A_153 = arith.constant 1 : i32
        %scan3A_154:2 = scf.for %scan3A_289 = %scan3A_150 to %scan3A_152 step %scan3A_153 iter_args(%scan3A_290 = %scan3A_148#0, %scan3A_291 = %scan3A_148#1) -> (vector<16xf32>, vector<16xi32>)  : i32 {
          %mul3A_292 = arith.constant 16 : i32
          %mul3A_293 = arith.muli %scan3A_289, %mul3A_292 : i32
          %get3A_294 = arith.constant 5 : i32
          %get3A_295 = arith.index_cast %get3A_294 : i32 to index
          %get3A_296 = arith.index_cast %mul3A_293 : i32 to index
          %get3A_297 = tpu.vector_load %arg7[%get3A_295, %get3A_296] {strides = array<i32>} : memref<16x128xf32, #tpu.memory_space<vmem>>, vector<1x16xf32>,
          %get3A_298 = vector.shape_cast %get3A_297 : vector<1x16xf32> to vector<16xf32>
          %get3A_299 = arith.constant 5 : i32
          %get3A_300 = arith.index_cast %get3A_299 : i32 to index
          %get3A_301 = arith.index_cast %mul3A_293 : i32 to index
          %get3A_302 = tpu.vector_load %arg8[%get3A_300, %get3A_301] {strides = array<i32>} : memref<16x128xf32, #tpu.memory_space<vmem>>, vector<1x16xf32>,
          %get3A_303 = vector.shape_cast %get3A_302 : vector<1x16xf32> to vector<16xf32>
          %min3A_304 = arith.minimumf %get3A_298, %get3A_303 : vector<16xf32>
          %swap3A_305 = arith.constant 5 : i32
          %swap3A_306 = arith.index_cast %swap3A_305 : i32 to index
          %swap3A_307 = arith.index_cast %mul3A_293 : i32 to index
          %swap3A_308 = tpu.vector_load %arg7[%swap3A_306, %swap3A_307] {strides = array<i32>} : memref<16x128xf32, #tpu.memory_space<vmem>>, vector<1x16xf32>,
          %swap3A_309 = vector.shape_cast %swap3A_308 : vector<1x16xf32> to vector<16xf32>
          %swap3A_310 = vector.shape_cast %min3A_304 : vector<16xf32> to vector<1x16xf32>
          tpu.vector_store %arg7[%swap3A_306, %swap3A_307], %swap3A_310 {strides = array<i32>} : memref<16x128xf32, #tpu.memory_space<vmem>>, vector<1x16xf32>,
          %gt3A = arith.cmpf ogt, %min3A_304, %scan3A_290 : vector<16xf32>
          %add3A_311 = arith.constant 640 : i32
          %add3A_312 = vector.broadcast %add3A_311 : i32 to vector<16xi32>
          %add3A_313 = arith.addi %iota3A, %add3A_312 : vector<16xi32>
          %mul3A_314 = arith.constant 16 : i32
          %mul3A_315 = arith.muli %scan3A_289, %mul3A_314 : i32
          %add3A_316 = vector.broadcast %mul3A_315 : i32 to vector<16xi32>
          %add3A_317 = arith.addi %add3A_313, %add3A_316 : vector<16xi32>
          %select_n3A_318 = arith.select %gt3A, %min3A_304, %scan3A_290 : vector<16xi1>, vector<16xf32>
          %select_n3A_319 = arith.select %gt3A, %add3A_317, %scan3A_291 : vector<16xi1>, vector<16xi32>
          scf.yield %select_n3A_318, %select_n3A_319 : vector<16xf32>, vector<16xi32>
        }
        %scan3A_155 = arith.constant 8 : i32
        %scan3A_156 = arith.constant 0 : i32
        %scan3A_157 = arith.constant 8 : i32
        %scan3A_158 = arith.addi %scan3A_156, %scan3A_157 : i32
        %scan3A_159 = arith.constant 1 : i32
        %scan3A_160:2 = scf.for %scan3A_289 = %scan3A_156 to %scan3A_158 step %scan3A_159 iter_args(%scan3A_290 = %scan3A_154#0, %scan3A_291 = %scan3A_154#1) -> (vector<16xf32>, vector<16xi32>)  : i32 {
          %mul3A_292 = arith.constant 16 : i32
          %mul3A_293 = arith.muli %scan3A_289, %mul3A_292 : i32
          %get3A_294 = arith.constant 6 : i32
          %get3A_295 = arith.index_cast %get3A_294 : i32 to index
          %get3A_296 = arith.index_cast %mul3A_293 : i32 to index
          %get3A_297 = tpu.vector_load %arg7[%get3A_295, %get3A_296] {strides = array<i32>} : memref<16x128xf32, #tpu.memory_space<vmem>>, vector<1x16xf32>,
          %get3A_298 = vector.shape_cast %get3A_297 : vector<1x16xf32> to vector<16xf32>
          %get3A_299 = arith.constant 6 : i32
          %get3A_300 = arith.index_cast %get3A_299 : i32 to index
          %get3A_301 = arith.index_cast %mul3A_293 : i32 to index
          %get3A_302 = tpu.vector_load %arg8[%get3A_300, %get3A_301] {strides = array<i32>} : memref<16x128xf32, #tpu.memory_space<vmem>>, vector<1x16xf32>,
          %get3A_303 = vector.shape_cast %get3A_302 : vector<1x16xf32> to vector<16xf32>
          %min3A_304 = arith.minimumf %get3A_298, %get3A_303 : vector<16xf32>
          %swap3A_305 = arith.constant 6 : i32
          %swap3A_306 = arith.index_cast %swap3A_305 : i32 to index
          %swap3A_307 = arith.index_cast %mul3A_293 : i32 to index
          %swap3A_308 = tpu.vector_load %arg7[%swap3A_306, %swap3A_307] {strides = array<i32>} : memref<16x128xf32, #tpu.memory_space<vmem>>, vector<1x16xf32>,
          %swap3A_309 = vector.shape_cast %swap3A_308 : vector<1x16xf32> to vector<16xf32>
          %swap3A_310 = vector.shape_cast %min3A_304 : vector<16xf32> to vector<1x16xf32>
          tpu.vector_store %arg7[%swap3A_306, %swap3A_307], %swap3A_310 {strides = array<i32>} : memref<16x128xf32, #tpu.memory_space<vmem>>, vector<1x16xf32>,
          %gt3A = arith.cmpf ogt, %min3A_304, %scan3A_290 : vector<16xf32>
          %add3A_311 = arith.constant 768 : i32
          %add3A_312 = vector.broadcast %add3A_311 : i32 to vector<16xi32>
          %add3A_313 = arith.addi %iota3A, %add3A_312 : vector<16xi32>
          %mul3A_314 = arith.constant 16 : i32
          %mul3A_315 = arith.muli %scan3A_289, %mul3A_314 : i32
          %add3A_316 = vector.broadcast %mul3A_315 : i32 to vector<16xi32>
          %add3A_317 = arith.addi %add3A_313, %add3A_316 : vector<16xi32>
          %select_n3A_318 = arith.select %gt3A, %min3A_304, %scan3A_290 : vector<16xi1>, vector<16xf32>
          %select_n3A_319 = arith.select %gt3A, %add3A_317, %scan3A_291 : vector<16xi1>, vector<16xi32>
          scf.yield %select_n3A_318, %select_n3A_319 : vector<16xf32>, vector<16xi32>
        }
        %scan3A_161 = arith.constant 8 : i32
        %scan3A_162 = arith.constant 0 : i32
        %scan3A_163 = arith.constant 8 : i32
        %scan3A_164 = arith.addi %scan3A_162, %scan3A_163 : i32
        %scan3A_165 = arith.constant 1 : i32
        %scan3A_166:2 = scf.for %scan3A_289 = %scan3A_162 to %scan3A_164 step %scan3A_165 iter_args(%scan3A_290 = %scan3A_160#0, %scan3A_291 = %scan3A_160#1) -> (vector<16xf32>, vector<16xi32>)  : i32 {
          %mul3A_292 = arith.constant 16 : i32
          %mul3A_293 = arith.muli %scan3A_289, %mul3A_292 : i32
          %get3A_294 = arith.constant 7 : i32
          %get3A_295 = arith.index_cast %get3A_294 : i32 to index
          %get3A_296 = arith.index_cast %mul3A_293 : i32 to index
          %get3A_297 = tpu.vector_load %arg7[%get3A_295, %get3A_296] {strides = array<i32>} : memref<16x128xf32, #tpu.memory_space<vmem>>, vector<1x16xf32>,
          %get3A_298 = vector.shape_cast %get3A_297 : vector<1x16xf32> to vector<16xf32>
          %get3A_299 = arith.constant 7 : i32
          %get3A_300 = arith.index_cast %get3A_299 : i32 to index
          %get3A_301 = arith.index_cast %mul3A_293 : i32 to index
          %get3A_302 = tpu.vector_load %arg8[%get3A_300, %get3A_301] {strides = array<i32>} : memref<16x128xf32, #tpu.memory_space<vmem>>, vector<1x16xf32>,
          %get3A_303 = vector.shape_cast %get3A_302 : vector<1x16xf32> to vector<16xf32>
          %min3A_304 = arith.minimumf %get3A_298, %get3A_303 : vector<16xf32>
          %swap3A_305 = arith.constant 7 : i32
          %swap3A_306 = arith.index_cast %swap3A_305 : i32 to index
          %swap3A_307 = arith.index_cast %mul3A_293 : i32 to index
          %swap3A_308 = tpu.vector_load %arg7[%swap3A_306, %swap3A_307] {strides = array<i32>} : memref<16x128xf32, #tpu.memory_space<vmem>>, vector<1x16xf32>,
          %swap3A_309 = vector.shape_cast %swap3A_308 : vector<1x16xf32> to vector<16xf32>
          %swap3A_310 = vector.shape_cast %min3A_304 : vector<16xf32> to vector<1x16xf32>
          tpu.vector_store %arg7[%swap3A_306, %swap3A_307], %swap3A_310 {strides = array<i32>} : memref<16x128xf32, #tpu.memory_space<vmem>>, vector<1x16xf32>,
          %gt3A = arith.cmpf ogt, %min3A_304, %scan3A_290 : vector<16xf32>
          %add3A_311 = arith.constant 896 : i32
          %add3A_312 = vector.broadcast %add3A_311 : i32 to vector<16xi32>
          %add3A_313 = arith.addi %iota3A, %add3A_312 : vector<16xi32>
          %mul3A_314 = arith.constant 16 : i32
          %mul3A_315 = arith.muli %scan3A_289, %mul3A_314 : i32
          %add3A_316 = vector.broadcast %mul3A_315 : i32 to vector<16xi32>
          %add3A_317 = arith.addi %add3A_313, %add3A_316 : vector<16xi32>
          %select_n3A_318 = arith.select %gt3A, %min3A_304, %scan3A_290 : vector<16xi1>, vector<16xf32>
          %select_n3A_319 = arith.select %gt3A, %add3A_317, %scan3A_291 : vector<16xi1>, vector<16xi32>
          scf.yield %select_n3A_318, %select_n3A_319 : vector<16xf32>, vector<16xi32>
        }
        %scan3A_167 = arith.constant 8 : i32
        %scan3A_168 = arith.constant 0 : i32
        %scan3A_169 = arith.constant 8 : i32
        %scan3A_170 = arith.addi %scan3A_168, %scan3A_169 : i32
        %scan3A_171 = arith.constant 1 : i32
        %scan3A_172:2 = scf.for %scan3A_289 = %scan3A_168 to %scan3A_170 step %scan3A_171 iter_args(%scan3A_290 = %scan3A_166#0, %scan3A_291 = %scan3A_166#1) -> (vector<16xf32>, vector<16xi32>)  : i32 {
          %mul3A_292 = arith.constant 16 : i32
          %mul3A_293 = arith.muli %scan3A_289, %mul3A_292 : i32
          %get3A_294 = arith.constant 8 : i32
          %get3A_295 = arith.index_cast %get3A_294 : i32 to index
          %get3A_296 = arith.index_cast %mul3A_293 : i32 to index
          %get3A_297 = tpu.vector_load %arg7[%get3A_295, %get3A_296] {strides = array<i32>} : memref<16x128xf32, #tpu.memory_space<vmem>>, vector<1x16xf32>,
          %get3A_298 = vector.shape_cast %get3A_297 : vector<1x16xf32> to vector<16xf32>
          %get3A_299 = arith.constant 8 : i32
          %get3A_300 = arith.index_cast %get3A_299 : i32 to index
          %get3A_301 = arith.index_cast %mul3A_293 : i32 to index
          %get3A_302 = tpu.vector_load %arg8[%get3A_300, %get3A_301] {strides = array<i32>} : memref<16x128xf32, #tpu.memory_space<vmem>>, vector<1x16xf32>,
          %get3A_303 = vector.shape_cast %get3A_302 : vector<1x16xf32> to vector<16xf32>
          %min3A_304 = arith.minimumf %get3A_298, %get3A_303 : vector<16xf32>
          %swap3A_305 = arith.constant 8 : i32
          %swap3A_306 = arith.index_cast %swap3A_305 : i32 to index
          %swap3A_307 = arith.index_cast %mul3A_293 : i32 to index
          %swap3A_308 = tpu.vector_load %arg7[%swap3A_306, %swap3A_307] {strides = array<i32>} : memref<16x128xf32, #tpu.memory_space<vmem>>, vector<1x16xf32>,
          %swap3A_309 = vector.shape_cast %swap3A_308 : vector<1x16xf32> to vector<16xf32>
          %swap3A_310 = vector.shape_cast %min3A_304 : vector<16xf32> to vector<1x16xf32>
          tpu.vector_store %arg7[%swap3A_306, %swap3A_307], %swap3A_310 {strides = array<i32>} : memref<16x128xf32, #tpu.memory_space<vmem>>, vector<1x16xf32>,
          %gt3A = arith.cmpf ogt, %min3A_304, %scan3A_290 : vector<16xf32>
          %add3A_311 = arith.constant 1024 : i32
          %add3A_312 = vector.broadcast %add3A_311 : i32 to vector<16xi32>
          %add3A_313 = arith.addi %iota3A, %add3A_312 : vector<16xi32>
          %mul3A_314 = arith.constant 16 : i32
          %mul3A_315 = arith.muli %scan3A_289, %mul3A_314 : i32
          %add3A_316 = vector.broadcast %mul3A_315 : i32 to vector<16xi32>
          %add3A_317 = arith.addi %add3A_313, %add3A_316 : vector<16xi32>
          %select_n3A_318 = arith.select %gt3A, %min3A_304, %scan3A_290 : vector<16xi1>, vector<16xf32>
          %select_n3A_319 = arith.select %gt3A, %add3A_317, %scan3A_291 : vector<16xi1>, vector<16xi32>
          scf.yield %select_n3A_318, %select_n3A_319 : vector<16xf32>, vector<16xi32>
        }
        %scan3A_173 = arith.constant 8 : i32
        %scan3A_174 = arith.constant 0 : i32
        %scan3A_175 = arith.constant 8 : i32
        %scan3A_176 = arith.addi %scan3A_174, %scan3A_175 : i32
        %scan3A_177 = arith.constant 1 : i32
        %scan3A_178:2 = scf.for %scan3A_289 = %scan3A_174 to %scan3A_176 step %scan3A_177 iter_args(%scan3A_290 = %scan3A_172#0, %scan3A_291 = %scan3A_172#1) -> (vector<16xf32>, vector<16xi32>)  : i32 {
          %mul3A_292 = arith.constant 16 : i32
          %mul3A_293 = arith.muli %scan3A_289, %mul3A_292 : i32
          %get3A_294 = arith.constant 9 : i32
          %get3A_295 = arith.index_cast %get3A_294 : i32 to index
          %get3A_296 = arith.index_cast %mul3A_293 : i32 to index
          %get3A_297 = tpu.vector_load %arg7[%get3A_295, %get3A_296] {strides = array<i32>} : memref<16x128xf32, #tpu.memory_space<vmem>>, vector<1x16xf32>,
          %get3A_298 = vector.shape_cast %get3A_297 : vector<1x16xf32> to vector<16xf32>
          %get3A_299 = arith.constant 9 : i32
          %get3A_300 = arith.index_cast %get3A_299 : i32 to index
          %get3A_301 = arith.index_cast %mul3A_293 : i32 to index
          %get3A_302 = tpu.vector_load %arg8[%get3A_300, %get3A_301] {strides = array<i32>} : memref<16x128xf32, #tpu.memory_space<vmem>>, vector<1x16xf32>,
          %get3A_303 = vector.shape_cast %get3A_302 : vector<1x16xf32> to vector<16xf32>
          %min3A_304 = arith.minimumf %get3A_298, %get3A_303 : vector<16xf32>
          %swap3A_305 = arith.constant 9 : i32
          %swap3A_306 = arith.index_cast %swap3A_305 : i32 to index
          %swap3A_307 = arith.index_cast %mul3A_293 : i32 to index
          %swap3A_308 = tpu.vector_load %arg7[%swap3A_306, %swap3A_307] {strides = array<i32>} : memref<16x128xf32, #tpu.memory_space<vmem>>, vector<1x16xf32>,
          %swap3A_309 = vector.shape_cast %swap3A_308 : vector<1x16xf32> to vector<16xf32>
          %swap3A_310 = vector.shape_cast %min3A_304 : vector<16xf32> to vector<1x16xf32>
          tpu.vector_store %arg7[%swap3A_306, %swap3A_307], %swap3A_310 {strides = array<i32>} : memref<16x128xf32, #tpu.memory_space<vmem>>, vector<1x16xf32>,
          %gt3A = arith.cmpf ogt, %min3A_304, %scan3A_290 : vector<16xf32>
          %add3A_311 = arith.constant 1152 : i32
          %add3A_312 = vector.broadcast %add3A_311 : i32 to vector<16xi32>
          %add3A_313 = arith.addi %iota3A, %add3A_312 : vector<16xi32>
          %mul3A_314 = arith.constant 16 : i32
          %mul3A_315 = arith.muli %scan3A_289, %mul3A_314 : i32
          %add3A_316 = vector.broadcast %mul3A_315 : i32 to vector<16xi32>
          %add3A_317 = arith.addi %add3A_313, %add3A_316 : vector<16xi32>
          %select_n3A_318 = arith.select %gt3A, %min3A_304, %scan3A_290 : vector<16xi1>, vector<16xf32>
          %select_n3A_319 = arith.select %gt3A, %add3A_317, %scan3A_291 : vector<16xi1>, vector<16xi32>
          scf.yield %select_n3A_318, %select_n3A_319 : vector<16xf32>, vector<16xi32>
        }
        %scan3A_179 = arith.constant 8 : i32
        %scan3A_180 = arith.constant 0 : i32
        %scan3A_181 = arith.constant 8 : i32
        %scan3A_182 = arith.addi %scan3A_180, %scan3A_181 : i32
        %scan3A_183 = arith.constant 1 : i32
        %scan3A_184:2 = scf.for %scan3A_289 = %scan3A_180 to %scan3A_182 step %scan3A_183 iter_args(%scan3A_290 = %scan3A_178#0, %scan3A_291 = %scan3A_178#1) -> (vector<16xf32>, vector<16xi32>)  : i32 {
          %mul3A_292 = arith.constant 16 : i32
          %mul3A_293 = arith.muli %scan3A_289, %mul3A_292 : i32
          %get3A_294 = arith.constant 10 : i32
          %get3A_295 = arith.index_cast %get3A_294 : i32 to index
          %get3A_296 = arith.index_cast %mul3A_293 : i32 to index
          %get3A_297 = tpu.vector_load %arg7[%get3A_295, %get3A_296] {strides = array<i32>} : memref<16x128xf32, #tpu.memory_space<vmem>>, vector<1x16xf32>,
          %get3A_298 = vector.shape_cast %get3A_297 : vector<1x16xf32> to vector<16xf32>
          %get3A_299 = arith.constant 10 : i32
          %get3A_300 = arith.index_cast %get3A_299 : i32 to index
          %get3A_301 = arith.index_cast %mul3A_293 : i32 to index
          %get3A_302 = tpu.vector_load %arg8[%get3A_300, %get3A_301] {strides = array<i32>} : memref<16x128xf32, #tpu.memory_space<vmem>>, vector<1x16xf32>,
          %get3A_303 = vector.shape_cast %get3A_302 : vector<1x16xf32> to vector<16xf32>
          %min3A_304 = arith.minimumf %get3A_298, %get3A_303 : vector<16xf32>
          %swap3A_305 = arith.constant 10 : i32
          %swap3A_306 = arith.index_cast %swap3A_305 : i32 to index
          %swap3A_307 = arith.index_cast %mul3A_293 : i32 to index
          %swap3A_308 = tpu.vector_load %arg7[%swap3A_306, %swap3A_307] {strides = array<i32>} : memref<16x128xf32, #tpu.memory_space<vmem>>, vector<1x16xf32>,
          %swap3A_309 = vector.shape_cast %swap3A_308 : vector<1x16xf32> to vector<16xf32>
          %swap3A_310 = vector.shape_cast %min3A_304 : vector<16xf32> to vector<1x16xf32>
          tpu.vector_store %arg7[%swap3A_306, %swap3A_307], %swap3A_310 {strides = array<i32>} : memref<16x128xf32, #tpu.memory_space<vmem>>, vector<1x16xf32>,
          %gt3A = arith.cmpf ogt, %min3A_304, %scan3A_290 : vector<16xf32>
          %add3A_311 = arith.constant 1280 : i32
          %add3A_312 = vector.broadcast %add3A_311 : i32 to vector<16xi32>
          %add3A_313 = arith.addi %iota3A, %add3A_312 : vector<16xi32>
          %mul3A_314 = arith.constant 16 : i32
          %mul3A_315 = arith.muli %scan3A_289, %mul3A_314 : i32
          %add3A_316 = vector.broadcast %mul3A_315 : i32 to vector<16xi32>
          %add3A_317 = arith.addi %add3A_313, %add3A_316 : vector<16xi32>
          %select_n3A_318 = arith.select %gt3A, %min3A_304, %scan3A_290 : vector<16xi1>, vector<16xf32>
          %select_n3A_319 = arith.select %gt3A, %add3A_317, %scan3A_291 : vector<16xi1>, vector<16xi32>
          scf.yield %select_n3A_318, %select_n3A_319 : vector<16xf32>, vector<16xi32>
        }
        %scan3A_185 = arith.constant 8 : i32
        %scan3A_186 = arith.constant 0 : i32
        %scan3A_187 = arith.constant 8 : i32
        %scan3A_188 = arith.addi %scan3A_186, %scan3A_187 : i32
        %scan3A_189 = arith.constant 1 : i32
        %scan3A_190:2 = scf.for %scan3A_289 = %scan3A_186 to %scan3A_188 step %scan3A_189 iter_args(%scan3A_290 = %scan3A_184#0, %scan3A_291 = %scan3A_184#1) -> (vector<16xf32>, vector<16xi32>)  : i32 {
          %mul3A_292 = arith.constant 16 : i32
          %mul3A_293 = arith.muli %scan3A_289, %mul3A_292 : i32
          %get3A_294 = arith.constant 11 : i32
          %get3A_295 = arith.index_cast %get3A_294 : i32 to index
          %get3A_296 = arith.index_cast %mul3A_293 : i32 to index
          %get3A_297 = tpu.vector_load %arg7[%get3A_295, %get3A_296] {strides = array<i32>} : memref<16x128xf32, #tpu.memory_space<vmem>>, vector<1x16xf32>,
          %get3A_298 = vector.shape_cast %get3A_297 : vector<1x16xf32> to vector<16xf32>
          %get3A_299 = arith.constant 11 : i32
          %get3A_300 = arith.index_cast %get3A_299 : i32 to index
          %get3A_301 = arith.index_cast %mul3A_293 : i32 to index
          %get3A_302 = tpu.vector_load %arg8[%get3A_300, %get3A_301] {strides = array<i32>} : memref<16x128xf32, #tpu.memory_space<vmem>>, vector<1x16xf32>,
          %get3A_303 = vector.shape_cast %get3A_302 : vector<1x16xf32> to vector<16xf32>
          %min3A_304 = arith.minimumf %get3A_298, %get3A_303 : vector<16xf32>
          %swap3A_305 = arith.constant 11 : i32
          %swap3A_306 = arith.index_cast %swap3A_305 : i32 to index
          %swap3A_307 = arith.index_cast %mul3A_293 : i32 to index
          %swap3A_308 = tpu.vector_load %arg7[%swap3A_306, %swap3A_307] {strides = array<i32>} : memref<16x128xf32, #tpu.memory_space<vmem>>, vector<1x16xf32>,
          %swap3A_309 = vector.shape_cast %swap3A_308 : vector<1x16xf32> to vector<16xf32>
          %swap3A_310 = vector.shape_cast %min3A_304 : vector<16xf32> to vector<1x16xf32>
          tpu.vector_store %arg7[%swap3A_306, %swap3A_307], %swap3A_310 {strides = array<i32>} : memref<16x128xf32, #tpu.memory_space<vmem>>, vector<1x16xf32>,
          %gt3A = arith.cmpf ogt, %min3A_304, %scan3A_290 : vector<16xf32>
          %add3A_311 = arith.constant 1408 : i32
          %add3A_312 = vector.broadcast %add3A_311 : i32 to vector<16xi32>
          %add3A_313 = arith.addi %iota3A, %add3A_312 : vector<16xi32>
          %mul3A_314 = arith.constant 16 : i32
          %mul3A_315 = arith.muli %scan3A_289, %mul3A_314 : i32
          %add3A_316 = vector.broadcast %mul3A_315 : i32 to vector<16xi32>
          %add3A_317 = arith.addi %add3A_313, %add3A_316 : vector<16xi32>
          %select_n3A_318 = arith.select %gt3A, %min3A_304, %scan3A_290 : vector<16xi1>, vector<16xf32>
          %select_n3A_319 = arith.select %gt3A, %add3A_317, %scan3A_291 : vector<16xi1>, vector<16xi32>
          scf.yield %select_n3A_318, %select_n3A_319 : vector<16xf32>, vector<16xi32>
        }
        %scan3A_191 = arith.constant 8 : i32
        %scan3A_192 = arith.constant 0 : i32
        %scan3A_193 = arith.constant 8 : i32
        %scan3A_194 = arith.addi %scan3A_192, %scan3A_193 : i32
        %scan3A_195 = arith.constant 1 : i32
        %scan3A_196:2 = scf.for %scan3A_289 = %scan3A_192 to %scan3A_194 step %scan3A_195 iter_args(%scan3A_290 = %scan3A_190#0, %scan3A_291 = %scan3A_190#1) -> (vector<16xf32>, vector<16xi32>)  : i32 {
          %mul3A_292 = arith.constant 16 : i32
          %mul3A_293 = arith.muli %scan3A_289, %mul3A_292 : i32
          %get3A_294 = arith.constant 12 : i32
          %get3A_295 = arith.index_cast %get3A_294 : i32 to index
          %get3A_296 = arith.index_cast %mul3A_293 : i32 to index
          %get3A_297 = tpu.vector_load %arg7[%get3A_295, %get3A_296] {strides = array<i32>} : memref<16x128xf32, #tpu.memory_space<vmem>>, vector<1x16xf32>,
          %get3A_298 = vector.shape_cast %get3A_297 : vector<1x16xf32> to vector<16xf32>
          %get3A_299 = arith.constant 12 : i32
          %get3A_300 = arith.index_cast %get3A_299 : i32 to index
          %get3A_301 = arith.index_cast %mul3A_293 : i32 to index
          %get3A_302 = tpu.vector_load %arg8[%get3A_300, %get3A_301] {strides = array<i32>} : memref<16x128xf32, #tpu.memory_space<vmem>>, vector<1x16xf32>,
          %get3A_303 = vector.shape_cast %get3A_302 : vector<1x16xf32> to vector<16xf32>
          %min3A_304 = arith.minimumf %get3A_298, %get3A_303 : vector<16xf32>
          %swap3A_305 = arith.constant 12 : i32
          %swap3A_306 = arith.index_cast %swap3A_305 : i32 to index
          %swap3A_307 = arith.index_cast %mul3A_293 : i32 to index
          %swap3A_308 = tpu.vector_load %arg7[%swap3A_306, %swap3A_307] {strides = array<i32>} : memref<16x128xf32, #tpu.memory_space<vmem>>, vector<1x16xf32>,
          %swap3A_309 = vector.shape_cast %swap3A_308 : vector<1x16xf32> to vector<16xf32>
          %swap3A_310 = vector.shape_cast %min3A_304 : vector<16xf32> to vector<1x16xf32>
          tpu.vector_store %arg7[%swap3A_306, %swap3A_307], %swap3A_310 {strides = array<i32>} : memref<16x128xf32, #tpu.memory_space<vmem>>, vector<1x16xf32>,
          %gt3A = arith.cmpf ogt, %min3A_304, %scan3A_290 : vector<16xf32>
          %add3A_311 = arith.constant 1536 : i32
          %add3A_312 = vector.broadcast %add3A_311 : i32 to vector<16xi32>
          %add3A_313 = arith.addi %iota3A, %add3A_312 : vector<16xi32>
          %mul3A_314 = arith.constant 16 : i32
          %mul3A_315 = arith.muli %scan3A_289, %mul3A_314 : i32
          %add3A_316 = vector.broadcast %mul3A_315 : i32 to vector<16xi32>
          %add3A_317 = arith.addi %add3A_313, %add3A_316 : vector<16xi32>
          %select_n3A_318 = arith.select %gt3A, %min3A_304, %scan3A_290 : vector<16xi1>, vector<16xf32>
          %select_n3A_319 = arith.select %gt3A, %add3A_317, %scan3A_291 : vector<16xi1>, vector<16xi32>
          scf.yield %select_n3A_318, %select_n3A_319 : vector<16xf32>, vector<16xi32>
        }
        %scan3A_197 = arith.constant 8 : i32
        %scan3A_198 = arith.constant 0 : i32
        %scan3A_199 = arith.constant 8 : i32
        %scan3A_200 = arith.addi %scan3A_198, %scan3A_199 : i32
        %scan3A_201 = arith.constant 1 : i32
        %scan3A_202:2 = scf.for %scan3A_289 = %scan3A_198 to %scan3A_200 step %scan3A_201 iter_args(%scan3A_290 = %scan3A_196#0, %scan3A_291 = %scan3A_196#1) -> (vector<16xf32>, vector<16xi32>)  : i32 {
          %mul3A_292 = arith.constant 16 : i32
          %mul3A_293 = arith.muli %scan3A_289, %mul3A_292 : i32
          %get3A_294 = arith.constant 13 : i32
          %get3A_295 = arith.index_cast %get3A_294 : i32 to index
          %get3A_296 = arith.index_cast %mul3A_293 : i32 to index
          %get3A_297 = tpu.vector_load %arg7[%get3A_295, %get3A_296] {strides = array<i32>} : memref<16x128xf32, #tpu.memory_space<vmem>>, vector<1x16xf32>,
          %get3A_298 = vector.shape_cast %get3A_297 : vector<1x16xf32> to vector<16xf32>
          %get3A_299 = arith.constant 13 : i32
          %get3A_300 = arith.index_cast %get3A_299 : i32 to index
          %get3A_301 = arith.index_cast %mul3A_293 : i32 to index
          %get3A_302 = tpu.vector_load %arg8[%get3A_300, %get3A_301] {strides = array<i32>} : memref<16x128xf32, #tpu.memory_space<vmem>>, vector<1x16xf32>,
          %get3A_303 = vector.shape_cast %get3A_302 : vector<1x16xf32> to vector<16xf32>
          %min3A_304 = arith.minimumf %get3A_298, %get3A_303 : vector<16xf32>
          %swap3A_305 = arith.constant 13 : i32
          %swap3A_306 = arith.index_cast %swap3A_305 : i32 to index
          %swap3A_307 = arith.index_cast %mul3A_293 : i32 to index
          %swap3A_308 = tpu.vector_load %arg7[%swap3A_306, %swap3A_307] {strides = array<i32>} : memref<16x128xf32, #tpu.memory_space<vmem>>, vector<1x16xf32>,
          %swap3A_309 = vector.shape_cast %swap3A_308 : vector<1x16xf32> to vector<16xf32>
          %swap3A_310 = vector.shape_cast %min3A_304 : vector<16xf32> to vector<1x16xf32>
          tpu.vector_store %arg7[%swap3A_306, %swap3A_307], %swap3A_310 {strides = array<i32>} : memref<16x128xf32, #tpu.memory_space<vmem>>, vector<1x16xf32>,
          %gt3A = arith.cmpf ogt, %min3A_304, %scan3A_290 : vector<16xf32>
          %add3A_311 = arith.constant 1664 : i32
          %add3A_312 = vector.broadcast %add3A_311 : i32 to vector<16xi32>
          %add3A_313 = arith.addi %iota3A, %add3A_312 : vector<16xi32>
          %mul3A_314 = arith.constant 16 : i32
          %mul3A_315 = arith.muli %scan3A_289, %mul3A_314 : i32
          %add3A_316 = vector.broadcast %mul3A_315 : i32 to vector<16xi32>
          %add3A_317 = arith.addi %add3A_313, %add3A_316 : vector<16xi32>
          %select_n3A_318 = arith.select %gt3A, %min3A_304, %scan3A_290 : vector<16xi1>, vector<16xf32>
          %select_n3A_319 = arith.select %gt3A, %add3A_317, %scan3A_291 : vector<16xi1>, vector<16xi32>
          scf.yield %select_n3A_318, %select_n3A_319 : vector<16xf32>, vector<16xi32>
        }
        %scan3A_203 = arith.constant 8 : i32
        %scan3A_204 = arith.constant 0 : i32
        %scan3A_205 = arith.constant 8 : i32
        %scan3A_206 = arith.addi %scan3A_204, %scan3A_205 : i32
        %scan3A_207 = arith.constant 1 : i32
        %scan3A_208:2 = scf.for %scan3A_289 = %scan3A_204 to %scan3A_206 step %scan3A_207 iter_args(%scan3A_290 = %scan3A_202#0, %scan3A_291 = %scan3A_202#1) -> (vector<16xf32>, vector<16xi32>)  : i32 {
          %mul3A_292 = arith.constant 16 : i32
          %mul3A_293 = arith.muli %scan3A_289, %mul3A_292 : i32
          %get3A_294 = arith.constant 14 : i32
          %get3A_295 = arith.index_cast %get3A_294 : i32 to index
          %get3A_296 = arith.index_cast %mul3A_293 : i32 to index
          %get3A_297 = tpu.vector_load %arg7[%get3A_295, %get3A_296] {strides = array<i32>} : memref<16x128xf32, #tpu.memory_space<vmem>>, vector<1x16xf32>,
          %get3A_298 = vector.shape_cast %get3A_297 : vector<1x16xf32> to vector<16xf32>
          %get3A_299 = arith.constant 14 : i32
          %get3A_300 = arith.index_cast %get3A_299 : i32 to index
          %get3A_301 = arith.index_cast %mul3A_293 : i32 to index
          %get3A_302 = tpu.vector_load %arg8[%get3A_300, %get3A_301] {strides = array<i32>} : memref<16x128xf32, #tpu.memory_space<vmem>>, vector<1x16xf32>,
          %get3A_303 = vector.shape_cast %get3A_302 : vector<1x16xf32> to vector<16xf32>
          %min3A_304 = arith.minimumf %get3A_298, %get3A_303 : vector<16xf32>
          %swap3A_305 = arith.constant 14 : i32
          %swap3A_306 = arith.index_cast %swap3A_305 : i32 to index
          %swap3A_307 = arith.index_cast %mul3A_293 : i32 to index
          %swap3A_308 = tpu.vector_load %arg7[%swap3A_306, %swap3A_307] {strides = array<i32>} : memref<16x128xf32, #tpu.memory_space<vmem>>, vector<1x16xf32>,
          %swap3A_309 = vector.shape_cast %swap3A_308 : vector<1x16xf32> to vector<16xf32>
          %swap3A_310 = vector.shape_cast %min3A_304 : vector<16xf32> to vector<1x16xf32>
          tpu.vector_store %arg7[%swap3A_306, %swap3A_307], %swap3A_310 {strides = array<i32>} : memref<16x128xf32, #tpu.memory_space<vmem>>, vector<1x16xf32>,
          %gt3A = arith.cmpf ogt, %min3A_304, %scan3A_290 : vector<16xf32>
          %add3A_311 = arith.constant 1792 : i32
          %add3A_312 = vector.broadcast %add3A_311 : i32 to vector<16xi32>
          %add3A_313 = arith.addi %iota3A, %add3A_312 : vector<16xi32>
          %mul3A_314 = arith.constant 16 : i32
          %mul3A_315 = arith.muli %scan3A_289, %mul3A_314 : i32
          %add3A_316 = vector.broadcast %mul3A_315 : i32 to vector<16xi32>
          %add3A_317 = arith.addi %add3A_313, %add3A_316 : vector<16xi32>
          %select_n3A_318 = arith.select %gt3A, %min3A_304, %scan3A_290 : vector<16xi1>, vector<16xf32>
          %select_n3A_319 = arith.select %gt3A, %add3A_317, %scan3A_291 : vector<16xi1>, vector<16xi32>
          scf.yield %select_n3A_318, %select_n3A_319 : vector<16xf32>, vector<16xi32>
        }
        %scan3A_209 = arith.constant 8 : i32
        %scan3A_210 = arith.constant 0 : i32
        %scan3A_211 = arith.constant 8 : i32
        %scan3A_212 = arith.addi %scan3A_210, %scan3A_211 : i32
        %scan3A_213 = arith.constant 1 : i32
        %scan3A_214:2 = scf.for %scan3A_289 = %scan3A_210 to %scan3A_212 step %scan3A_213 iter_args(%scan3A_290 = %scan3A_208#0, %scan3A_291 = %scan3A_208#1) -> (vector<16xf32>, vector<16xi32>)  : i32 {
          %mul3A_292 = arith.constant 16 : i32
          %mul3A_293 = arith.muli %scan3A_289, %mul3A_292 : i32
          %get3A_294 = arith.constant 15 : i32
          %get3A_295 = arith.index_cast %get3A_294 : i32 to index
          %get3A_296 = arith.index_cast %mul3A_293 : i32 to index
          %get3A_297 = tpu.vector_load %arg7[%get3A_295, %get3A_296] {strides = array<i32>} : memref<16x128xf32, #tpu.memory_space<vmem>>, vector<1x16xf32>,
          %get3A_298 = vector.shape_cast %get3A_297 : vector<1x16xf32> to vector<16xf32>
          %get3A_299 = arith.constant 15 : i32
          %get3A_300 = arith.index_cast %get3A_299 : i32 to index
          %get3A_301 = arith.index_cast %mul3A_293 : i32 to index
          %get3A_302 = tpu.vector_load %arg8[%get3A_300, %get3A_301] {strides = array<i32>} : memref<16x128xf32, #tpu.memory_space<vmem>>, vector<1x16xf32>,
          %get3A_303 = vector.shape_cast %get3A_302 : vector<1x16xf32> to vector<16xf32>
          %min3A_304 = arith.minimumf %get3A_298, %get3A_303 : vector<16xf32>
          %swap3A_305 = arith.constant 15 : i32
          %swap3A_306 = arith.index_cast %swap3A_305 : i32 to index
          %swap3A_307 = arith.index_cast %mul3A_293 : i32 to index
          %swap3A_308 = tpu.vector_load %arg7[%swap3A_306, %swap3A_307] {strides = array<i32>} : memref<16x128xf32, #tpu.memory_space<vmem>>, vector<1x16xf32>,
          %swap3A_309 = vector.shape_cast %swap3A_308 : vector<1x16xf32> to vector<16xf32>
          %swap3A_310 = vector.shape_cast %min3A_304 : vector<16xf32> to vector<1x16xf32>
          tpu.vector_store %arg7[%swap3A_306, %swap3A_307], %swap3A_310 {strides = array<i32>} : memref<16x128xf32, #tpu.memory_space<vmem>>, vector<1x16xf32>,
          %gt3A = arith.cmpf ogt, %min3A_304, %scan3A_290 : vector<16xf32>
          %add3A_311 = arith.constant 1920 : i32
          %add3A_312 = vector.broadcast %add3A_311 : i32 to vector<16xi32>
          %add3A_313 = arith.addi %iota3A, %add3A_312 : vector<16xi32>
          %mul3A_314 = arith.constant 16 : i32
          %mul3A_315 = arith.muli %scan3A_289, %mul3A_314 : i32
          %add3A_316 = vector.broadcast %mul3A_315 : i32 to vector<16xi32>
          %add3A_317 = arith.addi %add3A_313, %add3A_316 : vector<16xi32>
          %select_n3A_318 = arith.select %gt3A, %min3A_304, %scan3A_290 : vector<16xi1>, vector<16xf32>
          %select_n3A_319 = arith.select %gt3A, %add3A_317, %scan3A_291 : vector<16xi1>, vector<16xi32>
          scf.yield %select_n3A_318, %select_n3A_319 : vector<16xf32>, vector<16xi32>
        }
        %scan3A_215 = arith.constant 8 : i32
        %xor3A = arith.constant 1 : i32
        %xor3A_216 = vector.broadcast %xor3A : i32 to vector<16xi32>
        %xor3A_217 = arith.xori %iota3A, %xor3A_216 : vector<16xi32>
        %reshape3A = vector.shape_cast %xor3A_217 : vector<16xi32> to vector<16x1xi32>
        %gather3A = vector.shape_cast %reshape3A : vector<16x1xi32> to vector<16xi32>
        %gather3A_218 = tpu.dynamic_gather %scan3A_214#0[%gather3A] in [0] : vector<16xf32>, vector<16xi32> -> vector<16xf32>
        %max3A = arith.maximumf %scan3A_214#0, %gather3A_218 : vector<16xf32>
        %xor3A_219 = arith.constant 2 : i32
        %xor3A_220 = vector.broadcast %xor3A_219 : i32 to vector<16xi32>
        %xor3A_221 = arith.xori %iota3A, %xor3A_220 : vector<16xi32>
        %reshape3A_222 = vector.shape_cast %xor3A_221 : vector<16xi32> to vector<16x1xi32>
        %gather3A_223 = vector.shape_cast %reshape3A_222 : vector<16x1xi32> to vector<16xi32>
        %gather3A_224 = tpu.dynamic_gather %max3A[%gather3A_223] in [0] : vector<16xf32>, vector<16xi32> -> vector<16xf32>
        %max3A_225 = arith.maximumf %max3A, %gather3A_224 : vector<16xf32>
        %xor3A_226 = arith.constant 4 : i32
        %xor3A_227 = vector.broadcast %xor3A_226 : i32 to vector<16xi32>
        %xor3A_228 = arith.xori %iota3A, %xor3A_227 : vector<16xi32>
        %reshape3A_229 = vector.shape_cast %xor3A_228 : vector<16xi32> to vector<16x1xi32>
        %gather3A_230 = vector.shape_cast %reshape3A_229 : vector<16x1xi32> to vector<16xi32>
        %gather3A_231 = tpu.dynamic_gather %max3A_225[%gather3A_230] in [0] : vector<16xf32>, vector<16xi32> -> vector<16xf32>
        %max3A_232 = arith.maximumf %max3A_225, %gather3A_231 : vector<16xf32>
        %xor3A_233 = arith.constant 8 : i32
        %xor3A_234 = vector.broadcast %xor3A_233 : i32 to vector<16xi32>
        %xor3A_235 = arith.xori %iota3A, %xor3A_234 : vector<16xi32>
        %reshape3A_236 = vector.shape_cast %xor3A_235 : vector<16xi32> to vector<16x1xi32>
        %gather3A_237 = vector.shape_cast %reshape3A_236 : vector<16x1xi32> to vector<16xi32>
        %gather3A_238 = tpu.dynamic_gather %max3A_232[%gather3A_237] in [0] : vector<16xf32>, vector<16xi32> -> vector<16xf32>
        %max3A_239 = arith.maximumf %max3A_232, %gather3A_238 : vector<16xf32>
        %eq3A = arith.cmpf oeq, %scan3A_214#0, %max3A_239 : vector<16xf32>
        %broadcast_in_dim3A_240 = vector.broadcast %squeeze3A_7 : i32 to vector<16xi32>
        %select_n3A = arith.select %eq3A, %scan3A_214#1, %broadcast_in_dim3A_240 : vector<16xi1>, vector<16xi32>
        %xor3A_241 = arith.constant 1 : i32
        %xor3A_242 = vector.broadcast %xor3A_241 : i32 to vector<16xi32>
        %xor3A_243 = arith.xori %iota3A, %xor3A_242 : vector<16xi32>
        %reshape3A_244 = vector.shape_cast %xor3A_243 : vector<16xi32> to vector<16x1xi32>
        %gather3A_245 = vector.shape_cast %reshape3A_244 : vector<16x1xi32> to vector<16xi32>
        %gather3A_246 = tpu.dynamic_gather %select_n3A[%gather3A_245] in [0] : vector<16xi32>, vector<16xi32> -> vector<16xi32>
        %min3A = arith.minsi %select_n3A, %gather3A_246 : vector<16xi32>
        %xor3A_247 = arith.constant 2 : i32
        %xor3A_248 = vector.broadcast %xor3A_247 : i32 to vector<16xi32>
        %xor3A_249 = arith.xori %iota3A, %xor3A_248 : vector<16xi32>
        %reshape3A_250 = vector.shape_cast %xor3A_249 : vector<16xi32> to vector<16x1xi32>
        %gather3A_251 = vector.shape_cast %reshape3A_250 : vector<16x1xi32> to vector<16xi32>
        %gather3A_252 = tpu.dynamic_gather %min3A[%gather3A_251] in [0] : vector<16xi32>, vector<16xi32> -> vector<16xi32>
        %min3A_253 = arith.minsi %min3A, %gather3A_252 : vector<16xi32>
        %xor3A_254 = arith.constant 4 : i32
        %xor3A_255 = vector.broadcast %xor3A_254 : i32 to vector<16xi32>
        %xor3A_256 = arith.xori %iota3A, %xor3A_255 : vector<16xi32>
        %reshape3A_257 = vector.shape_cast %xor3A_256 : vector<16xi32> to vector<16x1xi32>
        %gather3A_258 = vector.shape_cast %reshape3A_257 : vector<16x1xi32> to vector<16xi32>
        %gather3A_259 = tpu.dynamic_gather %min3A_253[%gather3A_258] in [0] : vector<16xi32>, vector<16xi32> -> vector<16xi32>
        %min3A_260 = arith.minsi %min3A_253, %gather3A_259 : vector<16xi32>
        %xor3A_261 = arith.constant 8 : i32
        %xor3A_262 = vector.broadcast %xor3A_261 : i32 to vector<16xi32>
        %xor3A_263 = arith.xori %iota3A, %xor3A_262 : vector<16xi32>
        %reshape3A_264 = vector.shape_cast %xor3A_263 : vector<16xi32> to vector<16x1xi32>
        %gather3A_265 = vector.shape_cast %reshape3A_264 : vector<16x1xi32> to vector<16xi32>
        %gather3A_266 = tpu.dynamic_gather %min3A_260[%gather3A_265] in [0] : vector<16xi32>, vector<16xi32> -> vector<16xi32>
        %min3A_267 = arith.minsi %min3A_260, %gather3A_266 : vector<16xi32>
        %add3A_268 = vector.broadcast %mul3A_12 : i32 to vector<16xi32>
        %add3A_269 = arith.addi %add3A_268, %min3A_267 : vector<16xi32>
        %swap3A_270 = arith.index_cast %scan3A_117 : i32 to index
        %swap3A_271 = tpu.vector_load %arg10[%swap3A_270] {strides = array<i32>} : memref<1040xi32, #tpu.memory_space<vmem>>, vector<16xi32>,
        %swap3A_272 = vector.shape_cast %swap3A_271 : vector<16xi32> to vector<16xi32>
        %swap3A_273 = vector.shape_cast %add3A_269 : vector<16xi32> to vector<16xi32>
        tpu.vector_store %arg10[%swap3A_270], %swap3A_273 {strides = array<i32>} : memref<1040xi32, #tpu.memory_space<vmem>>, vector<16xi32>,
        %mul3A_274 = arith.constant 16 : i32
        %mul3A_275 = vector.broadcast %mul3A_274 : i32 to vector<16xi32>
        %mul3A_276 = arith.muli %add3A_269, %mul3A_275 : vector<16xi32>
        %add3A_277 = arith.addi %mul3A_276, %iota3A : vector<16xi32>
        %swap3A_278 = arith.constant 0 : index
        %swap3A_279 = tpu.vector_load %arg9[%swap3A_278] {strides = array<i32>} : memref<16xi32, #tpu.memory_space<vmem>>, vector<16xi32>,
        %swap3A_280 = vector.shape_cast %swap3A_279 : vector<16xi32> to vector<16xi32>
        %swap3A_281 = vector.shape_cast %add3A_277 : vector<16xi32> to vector<16xi32>
        tpu.vector_store %arg9[%swap3A_278], %swap3A_281 {strides = array<i32>} : memref<16xi32, #tpu.memory_space<vmem>>, vector<16xi32>,
        %dma_start3A_282 = arith.constant 0 : i32
        %dma_start3A_283 = arith.constant 0 : i32
        %dma_start3A_284 = tpu.memref_slice %arg2[%dma_start3A_282, %dma_start3A_283] : memref<131072x128xf32, #tpu.memory_space<hbm>> -> memref<131072x128xf32, #tpu.memory_space<hbm>>
        tpu.enqueue_indirect_dma source(%dma_start3A_284 : memref<131072x128xf32, #tpu.memory_space<hbm>>) target(%arg8 : memref<16x128xf32, #tpu.memory_space<vmem>>) offsets(%arg9 : memref<16xi32, #tpu.memory_space<vmem>>) semaphore(%arg12 : memref<!tpu.dma_semaphore, #tpu.memory_space<semaphore_mem>>)
        %dma_wait3A_285 = arith.constant 0 : i32
        %dma_wait3A_286 = arith.constant 0 : i32
        %dma_wait3A_287 = tpu.memref_slice %arg2[%dma_wait3A_285, %dma_wait3A_286] : memref<131072x128xf32, #tpu.memory_space<hbm>> -> memref<131072x128xf32, #tpu.memory_space<hbm>>
        tpu.wait_indirect_dma semaphore(%arg12 : memref<!tpu.dma_semaphore, #tpu.memory_space<semaphore_mem>>) src(%dma_wait3A_287 : memref<131072x128xf32, #tpu.memory_space<hbm>>) dst(%arg8 : memref<16x128xf32, #tpu.memory_space<vmem>>)
        %scan3A_288 = arith.constant 0 : i32
        scf.yield %scan3A_288 : i32
      }
      %scan3A_36 = arith.constant 1024 : i32
      %dma_start3A_37 = arith.constant 0 : i32
      %dma_start3A_38 = tpu.memref_slice %arg10[%dma_start3A_37] : memref<1040xi32, #tpu.memory_space<vmem>> -> memref<128xi32, #tpu.memory_space<vmem>>
      %dma_start3A_39 = arith.constant 0 : i32
      %dma_start3A_40 = arith.constant 0 : i32
      %dma_start3A_41 = tpu.memref_slice %arg3[%dma_start3A_39, %dma_start3A_40] : memref<8192x128xf32, #tpu.memory_space<hbm>> -> memref<8192x128xf32, #tpu.memory_space<hbm>>
      tpu.enqueue_indirect_dma source(%dma_start3A_41 : memref<8192x128xf32, #tpu.memory_space<hbm>>) target(%arg11 : memref<128x128xf32, #tpu.memory_space<vmem>>) offsets(%dma_start3A_38 : memref<128xi32, #tpu.memory_space<vmem>>) semaphore(%arg12 : memref<!tpu.dma_semaphore, #tpu.memory_space<semaphore_mem>>)
      %dma_wait3A_42 = arith.constant 0 : i32
      %dma_wait3A_43 = tpu.memref_slice %arg10[%dma_wait3A_42] : memref<1040xi32, #tpu.memory_space<vmem>> -> memref<128xi32, #tpu.memory_space<vmem>>
      %dma_wait3A_44 = arith.constant 0 : i32
      %dma_wait3A_45 = arith.constant 0 : i32
      %dma_wait3A_46 = tpu.memref_slice %arg3[%dma_wait3A_44, %dma_wait3A_45] : memref<8192x128xf32, #tpu.memory_space<hbm>> -> memref<8192x128xf32, #tpu.memory_space<hbm>>
      tpu.wait_indirect_dma semaphore(%arg12 : memref<!tpu.dma_semaphore, #tpu.memory_space<semaphore_mem>>) src(%dma_wait3A_46 : memref<8192x128xf32, #tpu.memory_space<hbm>>) dst(%arg11 : memref<128x128xf32, #tpu.memory_space<vmem>>)
      "tpu.region"() ({
        %run_scoped3A = tpu.sem_alloc : memref<!tpu.dma_semaphore, #tpu.memory_space<semaphore_mem>>
        %dma_start3A_117 = arith.constant 0 : i32
        %dma_start3A_118 = arith.constant 0 : i32
        %dma_start3A_119 = tpu.memref_slice %arg6[%add3A, %dma_start3A_117, %dma_start3A_118] : memref<4x1024x128xf32, #tpu.memory_space<hbm>> -> memref<1x128x128xf32, #tpu.memory_space<hbm>>
        %dma_start3A_120 = tpu.memref_squeeze %dma_start3A_119 : memref<1x128x128xf32, #tpu.memory_space<hbm>> -> memref<128x128xf32, #tpu.memory_space<hbm>>
        %dma_start3A_121 = arith.constant 0 : i32
        %dma_start3A_122 = arith.constant 0 : i32
        %dma_start3A_123 = tpu.memref_slice %arg6[%add3A, %dma_start3A_121, %dma_start3A_122] : memref<4x1024x128xf32, #tpu.memory_space<hbm>> -> memref<1x128x128xf32, #tpu.memory_space<hbm>>
        %dma_start3A_124 = tpu.memref_squeeze %dma_start3A_123 : memref<1x128x128xf32, #tpu.memory_space<hbm>> -> memref<128x128xf32, #tpu.memory_space<hbm>>
        tpu.enqueue_dma source(%arg11 : memref<128x128xf32, #tpu.memory_space<vmem>>) target(%dma_start3A_124 : memref<128x128xf32, #tpu.memory_space<hbm>>) target_semaphore(%run_scoped3A : memref<!tpu.dma_semaphore, #tpu.memory_space<semaphore_mem>>)
        %dma_wait3A_125 = arith.constant 0 : i32
        %dma_wait3A_126 = arith.constant 0 : i32
        %dma_wait3A_127 = tpu.memref_slice %arg6[%add3A, %dma_wait3A_125, %dma_wait3A_126] : memref<4x1024x128xf32, #tpu.memory_space<hbm>> -> memref<1x128x128xf32, #tpu.memory_space<hbm>>
        %dma_wait3A_128 = tpu.memref_squeeze %dma_wait3A_127 : memref<1x128x128xf32, #tpu.memory_space<hbm>> -> memref<128x128xf32, #tpu.memory_space<hbm>>
        %dma_wait3A_129 = arith.constant 0 : i32
        %dma_wait3A_130 = arith.constant 0 : i32
        %dma_wait3A_131 = tpu.memref_slice %arg6[%add3A, %dma_wait3A_129, %dma_wait3A_130] : memref<4x1024x128xf32, #tpu.memory_space<hbm>> -> memref<1x128x128xf32, #tpu.memory_space<hbm>>
        %dma_wait3A_132 = tpu.memref_squeeze %dma_wait3A_131 : memref<1x128x128xf32, #tpu.memory_space<hbm>> -> memref<128x128xf32, #tpu.memory_space<hbm>>
        tpu.wait_dma2 semaphore(%run_scoped3A : memref<!tpu.dma_semaphore, #tpu.memory_space<semaphore_mem>>) src(%arg11 : memref<128x128xf32, #tpu.memory_space<vmem>>) dst(%dma_wait3A_132 : memref<128x128xf32, #tpu.memory_space<hbm>>)
        tpu.yield
      }) : () -> ()
      %dma_start3A_47 = arith.constant 128 : i32
      %dma_start3A_48 = tpu.memref_slice %arg10[%dma_start3A_47] : memref<1040xi32, #tpu.memory_space<vmem>> -> memref<128xi32, #tpu.memory_space<vmem>>
      %dma_start3A_49 = arith.constant 0 : i32
      %dma_start3A_50 = arith.constant 0 : i32
      %dma_start3A_51 = tpu.memref_slice %arg3[%dma_start3A_49, %dma_start3A_50] : memref<8192x128xf32, #tpu.memory_space<hbm>> -> memref<8192x128xf32, #tpu.memory_space<hbm>>
      tpu.enqueue_indirect_dma source(%dma_start3A_51 : memref<8192x128xf32, #tpu.memory_space<hbm>>) target(%arg11 : memref<128x128xf32, #tpu.memory_space<vmem>>) offsets(%dma_start3A_48 : memref<128xi32, #tpu.memory_space<vmem>>) semaphore(%arg12 : memref<!tpu.dma_semaphore, #tpu.memory_space<semaphore_mem>>)
      %dma_wait3A_52 = arith.constant 128 : i32
      %dma_wait3A_53 = tpu.memref_slice %arg10[%dma_wait3A_52] : memref<1040xi32, #tpu.memory_space<vmem>> -> memref<128xi32, #tpu.memory_space<vmem>>
      %dma_wait3A_54 = arith.constant 0 : i32
      %dma_wait3A_55 = arith.constant 0 : i32
      %dma_wait3A_56 = tpu.memref_slice %arg3[%dma_wait3A_54, %dma_wait3A_55] : memref<8192x128xf32, #tpu.memory_space<hbm>> -> memref<8192x128xf32, #tpu.memory_space<hbm>>
      tpu.wait_indirect_dma semaphore(%arg12 : memref<!tpu.dma_semaphore, #tpu.memory_space<semaphore_mem>>) src(%dma_wait3A_56 : memref<8192x128xf32, #tpu.memory_space<hbm>>) dst(%arg11 : memref<128x128xf32, #tpu.memory_space<vmem>>)
      "tpu.region"() ({
        %run_scoped3A = tpu.sem_alloc : memref<!tpu.dma_semaphore, #tpu.memory_space<semaphore_mem>>
        %dma_start3A_117 = arith.constant 128 : i32
        %dma_start3A_118 = arith.constant 0 : i32
        %dma_start3A_119 = tpu.memref_slice %arg6[%add3A, %dma_start3A_117, %dma_start3A_118] : memref<4x1024x128xf32, #tpu.memory_space<hbm>> -> memref<1x128x128xf32, #tpu.memory_space<hbm>>
        %dma_start3A_120 = tpu.memref_squeeze %dma_start3A_119 : memref<1x128x128xf32, #tpu.memory_space<hbm>> -> memref<128x128xf32, #tpu.memory_space<hbm>>
        %dma_start3A_121 = arith.constant 128 : i32
        %dma_start3A_122 = arith.constant 0 : i32
        %dma_start3A_123 = tpu.memref_slice %arg6[%add3A, %dma_start3A_121, %dma_start3A_122] : memref<4x1024x128xf32, #tpu.memory_space<hbm>> -> memref<1x128x128xf32, #tpu.memory_space<hbm>>
        %dma_start3A_124 = tpu.memref_squeeze %dma_start3A_123 : memref<1x128x128xf32, #tpu.memory_space<hbm>> -> memref<128x128xf32, #tpu.memory_space<hbm>>
        tpu.enqueue_dma source(%arg11 : memref<128x128xf32, #tpu.memory_space<vmem>>) target(%dma_start3A_124 : memref<128x128xf32, #tpu.memory_space<hbm>>) target_semaphore(%run_scoped3A : memref<!tpu.dma_semaphore, #tpu.memory_space<semaphore_mem>>)
        %dma_wait3A_125 = arith.constant 128 : i32
        %dma_wait3A_126 = arith.constant 0 : i32
        %dma_wait3A_127 = tpu.memref_slice %arg6[%add3A, %dma_wait3A_125, %dma_wait3A_126] : memref<4x1024x128xf32, #tpu.memory_space<hbm>> -> memref<1x128x128xf32, #tpu.memory_space<hbm>>
        %dma_wait3A_128 = tpu.memref_squeeze %dma_wait3A_127 : memref<1x128x128xf32, #tpu.memory_space<hbm>> -> memref<128x128xf32, #tpu.memory_space<hbm>>
        %dma_wait3A_129 = arith.constant 128 : i32
        %dma_wait3A_130 = arith.constant 0 : i32
        %dma_wait3A_131 = tpu.memref_slice %arg6[%add3A, %dma_wait3A_129, %dma_wait3A_130] : memref<4x1024x128xf32, #tpu.memory_space<hbm>> -> memref<1x128x128xf32, #tpu.memory_space<hbm>>
        %dma_wait3A_132 = tpu.memref_squeeze %dma_wait3A_131 : memref<1x128x128xf32, #tpu.memory_space<hbm>> -> memref<128x128xf32, #tpu.memory_space<hbm>>
        tpu.wait_dma2 semaphore(%run_scoped3A : memref<!tpu.dma_semaphore, #tpu.memory_space<semaphore_mem>>) src(%arg11 : memref<128x128xf32, #tpu.memory_space<vmem>>) dst(%dma_wait3A_132 : memref<128x128xf32, #tpu.memory_space<hbm>>)
        tpu.yield
      }) : () -> ()
      %dma_start3A_57 = arith.constant 256 : i32
      %dma_start3A_58 = tpu.memref_slice %arg10[%dma_start3A_57] : memref<1040xi32, #tpu.memory_space<vmem>> -> memref<128xi32, #tpu.memory_space<vmem>>
      %dma_start3A_59 = arith.constant 0 : i32
      %dma_start3A_60 = arith.constant 0 : i32
      %dma_start3A_61 = tpu.memref_slice %arg3[%dma_start3A_59, %dma_start3A_60] : memref<8192x128xf32, #tpu.memory_space<hbm>> -> memref<8192x128xf32, #tpu.memory_space<hbm>>
      tpu.enqueue_indirect_dma source(%dma_start3A_61 : memref<8192x128xf32, #tpu.memory_space<hbm>>) target(%arg11 : memref<128x128xf32, #tpu.memory_space<vmem>>) offsets(%dma_start3A_58 : memref<128xi32, #tpu.memory_space<vmem>>) semaphore(%arg12 : memref<!tpu.dma_semaphore, #tpu.memory_space<semaphore_mem>>)
      %dma_wait3A_62 = arith.constant 256 : i32
      %dma_wait3A_63 = tpu.memref_slice %arg10[%dma_wait3A_62] : memref<1040xi32, #tpu.memory_space<vmem>> -> memref<128xi32, #tpu.memory_space<vmem>>
      %dma_wait3A_64 = arith.constant 0 : i32
      %dma_wait3A_65 = arith.constant 0 : i32
      %dma_wait3A_66 = tpu.memref_slice %arg3[%dma_wait3A_64, %dma_wait3A_65] : memref<8192x128xf32, #tpu.memory_space<hbm>> -> memref<8192x128xf32, #tpu.memory_space<hbm>>
      tpu.wait_indirect_dma semaphore(%arg12 : memref<!tpu.dma_semaphore, #tpu.memory_space<semaphore_mem>>) src(%dma_wait3A_66 : memref<8192x128xf32, #tpu.memory_space<hbm>>) dst(%arg11 : memref<128x128xf32, #tpu.memory_space<vmem>>)
      "tpu.region"() ({
        %run_scoped3A = tpu.sem_alloc : memref<!tpu.dma_semaphore, #tpu.memory_space<semaphore_mem>>
        %dma_start3A_117 = arith.constant 256 : i32
        %dma_start3A_118 = arith.constant 0 : i32
        %dma_start3A_119 = tpu.memref_slice %arg6[%add3A, %dma_start3A_117, %dma_start3A_118] : memref<4x1024x128xf32, #tpu.memory_space<hbm>> -> memref<1x128x128xf32, #tpu.memory_space<hbm>>
        %dma_start3A_120 = tpu.memref_squeeze %dma_start3A_119 : memref<1x128x128xf32, #tpu.memory_space<hbm>> -> memref<128x128xf32, #tpu.memory_space<hbm>>
        %dma_start3A_121 = arith.constant 256 : i32
        %dma_start3A_122 = arith.constant 0 : i32
        %dma_start3A_123 = tpu.memref_slice %arg6[%add3A, %dma_start3A_121, %dma_start3A_122] : memref<4x1024x128xf32, #tpu.memory_space<hbm>> -> memref<1x128x128xf32, #tpu.memory_space<hbm>>
        %dma_start3A_124 = tpu.memref_squeeze %dma_start3A_123 : memref<1x128x128xf32, #tpu.memory_space<hbm>> -> memref<128x128xf32, #tpu.memory_space<hbm>>
        tpu.enqueue_dma source(%arg11 : memref<128x128xf32, #tpu.memory_space<vmem>>) target(%dma_start3A_124 : memref<128x128xf32, #tpu.memory_space<hbm>>) target_semaphore(%run_scoped3A : memref<!tpu.dma_semaphore, #tpu.memory_space<semaphore_mem>>)
        %dma_wait3A_125 = arith.constant 256 : i32
        %dma_wait3A_126 = arith.constant 0 : i32
        %dma_wait3A_127 = tpu.memref_slice %arg6[%add3A, %dma_wait3A_125, %dma_wait3A_126] : memref<4x1024x128xf32, #tpu.memory_space<hbm>> -> memref<1x128x128xf32, #tpu.memory_space<hbm>>
        %dma_wait3A_128 = tpu.memref_squeeze %dma_wait3A_127 : memref<1x128x128xf32, #tpu.memory_space<hbm>> -> memref<128x128xf32, #tpu.memory_space<hbm>>
        %dma_wait3A_129 = arith.constant 256 : i32
        %dma_wait3A_130 = arith.constant 0 : i32
        %dma_wait3A_131 = tpu.memref_slice %arg6[%add3A, %dma_wait3A_129, %dma_wait3A_130] : memref<4x1024x128xf32, #tpu.memory_space<hbm>> -> memref<1x128x128xf32, #tpu.memory_space<hbm>>
        %dma_wait3A_132 = tpu.memref_squeeze %dma_wait3A_131 : memref<1x128x128xf32, #tpu.memory_space<hbm>> -> memref<128x128xf32, #tpu.memory_space<hbm>>
        tpu.wait_dma2 semaphore(%run_scoped3A : memref<!tpu.dma_semaphore, #tpu.memory_space<semaphore_mem>>) src(%arg11 : memref<128x128xf32, #tpu.memory_space<vmem>>) dst(%dma_wait3A_132 : memref<128x128xf32, #tpu.memory_space<hbm>>)
        tpu.yield
      }) : () -> ()
      %dma_start3A_67 = arith.constant 384 : i32
      %dma_start3A_68 = tpu.memref_slice %arg10[%dma_start3A_67] : memref<1040xi32, #tpu.memory_space<vmem>> -> memref<128xi32, #tpu.memory_space<vmem>>
      %dma_start3A_69 = arith.constant 0 : i32
      %dma_start3A_70 = arith.constant 0 : i32
      %dma_start3A_71 = tpu.memref_slice %arg3[%dma_start3A_69, %dma_start3A_70] : memref<8192x128xf32, #tpu.memory_space<hbm>> -> memref<8192x128xf32, #tpu.memory_space<hbm>>
      tpu.enqueue_indirect_dma source(%dma_start3A_71 : memref<8192x128xf32, #tpu.memory_space<hbm>>) target(%arg11 : memref<128x128xf32, #tpu.memory_space<vmem>>) offsets(%dma_start3A_68 : memref<128xi32, #tpu.memory_space<vmem>>) semaphore(%arg12 : memref<!tpu.dma_semaphore, #tpu.memory_space<semaphore_mem>>)
      %dma_wait3A_72 = arith.constant 384 : i32
      %dma_wait3A_73 = tpu.memref_slice %arg10[%dma_wait3A_72] : memref<1040xi32, #tpu.memory_space<vmem>> -> memref<128xi32, #tpu.memory_space<vmem>>
      %dma_wait3A_74 = arith.constant 0 : i32
      %dma_wait3A_75 = arith.constant 0 : i32
      %dma_wait3A_76 = tpu.memref_slice %arg3[%dma_wait3A_74, %dma_wait3A_75] : memref<8192x128xf32, #tpu.memory_space<hbm>> -> memref<8192x128xf32, #tpu.memory_space<hbm>>
      tpu.wait_indirect_dma semaphore(%arg12 : memref<!tpu.dma_semaphore, #tpu.memory_space<semaphore_mem>>) src(%dma_wait3A_76 : memref<8192x128xf32, #tpu.memory_space<hbm>>) dst(%arg11 : memref<128x128xf32, #tpu.memory_space<vmem>>)
      "tpu.region"() ({
        %run_scoped3A = tpu.sem_alloc : memref<!tpu.dma_semaphore, #tpu.memory_space<semaphore_mem>>
        %dma_start3A_117 = arith.constant 384 : i32
        %dma_start3A_118 = arith.constant 0 : i32
        %dma_start3A_119 = tpu.memref_slice %arg6[%add3A, %dma_start3A_117, %dma_start3A_118] : memref<4x1024x128xf32, #tpu.memory_space<hbm>> -> memref<1x128x128xf32, #tpu.memory_space<hbm>>
        %dma_start3A_120 = tpu.memref_squeeze %dma_start3A_119 : memref<1x128x128xf32, #tpu.memory_space<hbm>> -> memref<128x128xf32, #tpu.memory_space<hbm>>
        %dma_start3A_121 = arith.constant 384 : i32
        %dma_start3A_122 = arith.constant 0 : i32
        %dma_start3A_123 = tpu.memref_slice %arg6[%add3A, %dma_start3A_121, %dma_start3A_122] : memref<4x1024x128xf32, #tpu.memory_space<hbm>> -> memref<1x128x128xf32, #tpu.memory_space<hbm>>
        %dma_start3A_124 = tpu.memref_squeeze %dma_start3A_123 : memref<1x128x128xf32, #tpu.memory_space<hbm>> -> memref<128x128xf32, #tpu.memory_space<hbm>>
        tpu.enqueue_dma source(%arg11 : memref<128x128xf32, #tpu.memory_space<vmem>>) target(%dma_start3A_124 : memref<128x128xf32, #tpu.memory_space<hbm>>) target_semaphore(%run_scoped3A : memref<!tpu.dma_semaphore, #tpu.memory_space<semaphore_mem>>)
        %dma_wait3A_125 = arith.constant 384 : i32
        %dma_wait3A_126 = arith.constant 0 : i32
        %dma_wait3A_127 = tpu.memref_slice %arg6[%add3A, %dma_wait3A_125, %dma_wait3A_126] : memref<4x1024x128xf32, #tpu.memory_space<hbm>> -> memref<1x128x128xf32, #tpu.memory_space<hbm>>
        %dma_wait3A_128 = tpu.memref_squeeze %dma_wait3A_127 : memref<1x128x128xf32, #tpu.memory_space<hbm>> -> memref<128x128xf32, #tpu.memory_space<hbm>>
        %dma_wait3A_129 = arith.constant 384 : i32
        %dma_wait3A_130 = arith.constant 0 : i32
        %dma_wait3A_131 = tpu.memref_slice %arg6[%add3A, %dma_wait3A_129, %dma_wait3A_130] : memref<4x1024x128xf32, #tpu.memory_space<hbm>> -> memref<1x128x128xf32, #tpu.memory_space<hbm>>
        %dma_wait3A_132 = tpu.memref_squeeze %dma_wait3A_131 : memref<1x128x128xf32, #tpu.memory_space<hbm>> -> memref<128x128xf32, #tpu.memory_space<hbm>>
        tpu.wait_dma2 semaphore(%run_scoped3A : memref<!tpu.dma_semaphore, #tpu.memory_space<semaphore_mem>>) src(%arg11 : memref<128x128xf32, #tpu.memory_space<vmem>>) dst(%dma_wait3A_132 : memref<128x128xf32, #tpu.memory_space<hbm>>)
        tpu.yield
      }) : () -> ()
      %dma_start3A_77 = arith.constant 512 : i32
      %dma_start3A_78 = tpu.memref_slice %arg10[%dma_start3A_77] : memref<1040xi32, #tpu.memory_space<vmem>> -> memref<128xi32, #tpu.memory_space<vmem>>
      %dma_start3A_79 = arith.constant 0 : i32
      %dma_start3A_80 = arith.constant 0 : i32
      %dma_start3A_81 = tpu.memref_slice %arg3[%dma_start3A_79, %dma_start3A_80] : memref<8192x128xf32, #tpu.memory_space<hbm>> -> memref<8192x128xf32, #tpu.memory_space<hbm>>
      tpu.enqueue_indirect_dma source(%dma_start3A_81 : memref<8192x128xf32, #tpu.memory_space<hbm>>) target(%arg11 : memref<128x128xf32, #tpu.memory_space<vmem>>) offsets(%dma_start3A_78 : memref<128xi32, #tpu.memory_space<vmem>>) semaphore(%arg12 : memref<!tpu.dma_semaphore, #tpu.memory_space<semaphore_mem>>)
      %dma_wait3A_82 = arith.constant 512 : i32
      %dma_wait3A_83 = tpu.memref_slice %arg10[%dma_wait3A_82] : memref<1040xi32, #tpu.memory_space<vmem>> -> memref<128xi32, #tpu.memory_space<vmem>>
      %dma_wait3A_84 = arith.constant 0 : i32
      %dma_wait3A_85 = arith.constant 0 : i32
      %dma_wait3A_86 = tpu.memref_slice %arg3[%dma_wait3A_84, %dma_wait3A_85] : memref<8192x128xf32, #tpu.memory_space<hbm>> -> memref<8192x128xf32, #tpu.memory_space<hbm>>
      tpu.wait_indirect_dma semaphore(%arg12 : memref<!tpu.dma_semaphore, #tpu.memory_space<semaphore_mem>>) src(%dma_wait3A_86 : memref<8192x128xf32, #tpu.memory_space<hbm>>) dst(%arg11 : memref<128x128xf32, #tpu.memory_space<vmem>>)
      "tpu.region"() ({
        %run_scoped3A = tpu.sem_alloc : memref<!tpu.dma_semaphore, #tpu.memory_space<semaphore_mem>>
        %dma_start3A_117 = arith.constant 512 : i32
        %dma_start3A_118 = arith.constant 0 : i32
        %dma_start3A_119 = tpu.memref_slice %arg6[%add3A, %dma_start3A_117, %dma_start3A_118] : memref<4x1024x128xf32, #tpu.memory_space<hbm>> -> memref<1x128x128xf32, #tpu.memory_space<hbm>>
        %dma_start3A_120 = tpu.memref_squeeze %dma_start3A_119 : memref<1x128x128xf32, #tpu.memory_space<hbm>> -> memref<128x128xf32, #tpu.memory_space<hbm>>
        %dma_start3A_121 = arith.constant 512 : i32
        %dma_start3A_122 = arith.constant 0 : i32
        %dma_start3A_123 = tpu.memref_slice %arg6[%add3A, %dma_start3A_121, %dma_start3A_122] : memref<4x1024x128xf32, #tpu.memory_space<hbm>> -> memref<1x128x128xf32, #tpu.memory_space<hbm>>
        %dma_start3A_124 = tpu.memref_squeeze %dma_start3A_123 : memref<1x128x128xf32, #tpu.memory_space<hbm>> -> memref<128x128xf32, #tpu.memory_space<hbm>>
        tpu.enqueue_dma source(%arg11 : memref<128x128xf32, #tpu.memory_space<vmem>>) target(%dma_start3A_124 : memref<128x128xf32, #tpu.memory_space<hbm>>) target_semaphore(%run_scoped3A : memref<!tpu.dma_semaphore, #tpu.memory_space<semaphore_mem>>)
        %dma_wait3A_125 = arith.constant 512 : i32
        %dma_wait3A_126 = arith.constant 0 : i32
        %dma_wait3A_127 = tpu.memref_slice %arg6[%add3A, %dma_wait3A_125, %dma_wait3A_126] : memref<4x1024x128xf32, #tpu.memory_space<hbm>> -> memref<1x128x128xf32, #tpu.memory_space<hbm>>
        %dma_wait3A_128 = tpu.memref_squeeze %dma_wait3A_127 : memref<1x128x128xf32, #tpu.memory_space<hbm>> -> memref<128x128xf32, #tpu.memory_space<hbm>>
        %dma_wait3A_129 = arith.constant 512 : i32
        %dma_wait3A_130 = arith.constant 0 : i32
        %dma_wait3A_131 = tpu.memref_slice %arg6[%add3A, %dma_wait3A_129, %dma_wait3A_130] : memref<4x1024x128xf32, #tpu.memory_space<hbm>> -> memref<1x128x128xf32, #tpu.memory_space<hbm>>
        %dma_wait3A_132 = tpu.memref_squeeze %dma_wait3A_131 : memref<1x128x128xf32, #tpu.memory_space<hbm>> -> memref<128x128xf32, #tpu.memory_space<hbm>>
        tpu.wait_dma2 semaphore(%run_scoped3A : memref<!tpu.dma_semaphore, #tpu.memory_space<semaphore_mem>>) src(%arg11 : memref<128x128xf32, #tpu.memory_space<vmem>>) dst(%dma_wait3A_132 : memref<128x128xf32, #tpu.memory_space<hbm>>)
        tpu.yield
      }) : () -> ()
      %dma_start3A_87 = arith.constant 640 : i32
      %dma_start3A_88 = tpu.memref_slice %arg10[%dma_start3A_87] : memref<1040xi32, #tpu.memory_space<vmem>> -> memref<128xi32, #tpu.memory_space<vmem>>
      %dma_start3A_89 = arith.constant 0 : i32
      %dma_start3A_90 = arith.constant 0 : i32
      %dma_start3A_91 = tpu.memref_slice %arg3[%dma_start3A_89, %dma_start3A_90] : memref<8192x128xf32, #tpu.memory_space<hbm>> -> memref<8192x128xf32, #tpu.memory_space<hbm>>
      tpu.enqueue_indirect_dma source(%dma_start3A_91 : memref<8192x128xf32, #tpu.memory_space<hbm>>) target(%arg11 : memref<128x128xf32, #tpu.memory_space<vmem>>) offsets(%dma_start3A_88 : memref<128xi32, #tpu.memory_space<vmem>>) semaphore(%arg12 : memref<!tpu.dma_semaphore, #tpu.memory_space<semaphore_mem>>)
      %dma_wait3A_92 = arith.constant 640 : i32
      %dma_wait3A_93 = tpu.memref_slice %arg10[%dma_wait3A_92] : memref<1040xi32, #tpu.memory_space<vmem>> -> memref<128xi32, #tpu.memory_space<vmem>>
      %dma_wait3A_94 = arith.constant 0 : i32
      %dma_wait3A_95 = arith.constant 0 : i32
      %dma_wait3A_96 = tpu.memref_slice %arg3[%dma_wait3A_94, %dma_wait3A_95] : memref<8192x128xf32, #tpu.memory_space<hbm>> -> memref<8192x128xf32, #tpu.memory_space<hbm>>
      tpu.wait_indirect_dma semaphore(%arg12 : memref<!tpu.dma_semaphore, #tpu.memory_space<semaphore_mem>>) src(%dma_wait3A_96 : memref<8192x128xf32, #tpu.memory_space<hbm>>) dst(%arg11 : memref<128x128xf32, #tpu.memory_space<vmem>>)
      "tpu.region"() ({
        %run_scoped3A = tpu.sem_alloc : memref<!tpu.dma_semaphore, #tpu.memory_space<semaphore_mem>>
        %dma_start3A_117 = arith.constant 640 : i32
        %dma_start3A_118 = arith.constant 0 : i32
        %dma_start3A_119 = tpu.memref_slice %arg6[%add3A, %dma_start3A_117, %dma_start3A_118] : memref<4x1024x128xf32, #tpu.memory_space<hbm>> -> memref<1x128x128xf32, #tpu.memory_space<hbm>>
        %dma_start3A_120 = tpu.memref_squeeze %dma_start3A_119 : memref<1x128x128xf32, #tpu.memory_space<hbm>> -> memref<128x128xf32, #tpu.memory_space<hbm>>
        %dma_start3A_121 = arith.constant 640 : i32
        %dma_start3A_122 = arith.constant 0 : i32
        %dma_start3A_123 = tpu.memref_slice %arg6[%add3A, %dma_start3A_121, %dma_start3A_122] : memref<4x1024x128xf32, #tpu.memory_space<hbm>> -> memref<1x128x128xf32, #tpu.memory_space<hbm>>
        %dma_start3A_124 = tpu.memref_squeeze %dma_start3A_123 : memref<1x128x128xf32, #tpu.memory_space<hbm>> -> memref<128x128xf32, #tpu.memory_space<hbm>>
        tpu.enqueue_dma source(%arg11 : memref<128x128xf32, #tpu.memory_space<vmem>>) target(%dma_start3A_124 : memref<128x128xf32, #tpu.memory_space<hbm>>) target_semaphore(%run_scoped3A : memref<!tpu.dma_semaphore, #tpu.memory_space<semaphore_mem>>)
        %dma_wait3A_125 = arith.constant 640 : i32
        %dma_wait3A_126 = arith.constant 0 : i32
        %dma_wait3A_127 = tpu.memref_slice %arg6[%add3A, %dma_wait3A_125, %dma_wait3A_126] : memref<4x1024x128xf32, #tpu.memory_space<hbm>> -> memref<1x128x128xf32, #tpu.memory_space<hbm>>
        %dma_wait3A_128 = tpu.memref_squeeze %dma_wait3A_127 : memref<1x128x128xf32, #tpu.memory_space<hbm>> -> memref<128x128xf32, #tpu.memory_space<hbm>>
        %dma_wait3A_129 = arith.constant 640 : i32
        %dma_wait3A_130 = arith.constant 0 : i32
        %dma_wait3A_131 = tpu.memref_slice %arg6[%add3A, %dma_wait3A_129, %dma_wait3A_130] : memref<4x1024x128xf32, #tpu.memory_space<hbm>> -> memref<1x128x128xf32, #tpu.memory_space<hbm>>
        %dma_wait3A_132 = tpu.memref_squeeze %dma_wait3A_131 : memref<1x128x128xf32, #tpu.memory_space<hbm>> -> memref<128x128xf32, #tpu.memory_space<hbm>>
        tpu.wait_dma2 semaphore(%run_scoped3A : memref<!tpu.dma_semaphore, #tpu.memory_space<semaphore_mem>>) src(%arg11 : memref<128x128xf32, #tpu.memory_space<vmem>>) dst(%dma_wait3A_132 : memref<128x128xf32, #tpu.memory_space<hbm>>)
        tpu.yield
      }) : () -> ()
      %dma_start3A_97 = arith.constant 768 : i32
      %dma_start3A_98 = tpu.memref_slice %arg10[%dma_start3A_97] : memref<1040xi32, #tpu.memory_space<vmem>> -> memref<128xi32, #tpu.memory_space<vmem>>
      %dma_start3A_99 = arith.constant 0 : i32
      %dma_start3A_100 = arith.constant 0 : i32
      %dma_start3A_101 = tpu.memref_slice %arg3[%dma_start3A_99, %dma_start3A_100] : memref<8192x128xf32, #tpu.memory_space<hbm>> -> memref<8192x128xf32, #tpu.memory_space<hbm>>
      tpu.enqueue_indirect_dma source(%dma_start3A_101 : memref<8192x128xf32, #tpu.memory_space<hbm>>) target(%arg11 : memref<128x128xf32, #tpu.memory_space<vmem>>) offsets(%dma_start3A_98 : memref<128xi32, #tpu.memory_space<vmem>>) semaphore(%arg12 : memref<!tpu.dma_semaphore, #tpu.memory_space<semaphore_mem>>)
      %dma_wait3A_102 = arith.constant 768 : i32
      %dma_wait3A_103 = tpu.memref_slice %arg10[%dma_wait3A_102] : memref<1040xi32, #tpu.memory_space<vmem>> -> memref<128xi32, #tpu.memory_space<vmem>>
      %dma_wait3A_104 = arith.constant 0 : i32
      %dma_wait3A_105 = arith.constant 0 : i32
      %dma_wait3A_106 = tpu.memref_slice %arg3[%dma_wait3A_104, %dma_wait3A_105] : memref<8192x128xf32, #tpu.memory_space<hbm>> -> memref<8192x128xf32, #tpu.memory_space<hbm>>
      tpu.wait_indirect_dma semaphore(%arg12 : memref<!tpu.dma_semaphore, #tpu.memory_space<semaphore_mem>>) src(%dma_wait3A_106 : memref<8192x128xf32, #tpu.memory_space<hbm>>) dst(%arg11 : memref<128x128xf32, #tpu.memory_space<vmem>>)
      "tpu.region"() ({
        %run_scoped3A = tpu.sem_alloc : memref<!tpu.dma_semaphore, #tpu.memory_space<semaphore_mem>>
        %dma_start3A_117 = arith.constant 768 : i32
        %dma_start3A_118 = arith.constant 0 : i32
        %dma_start3A_119 = tpu.memref_slice %arg6[%add3A, %dma_start3A_117, %dma_start3A_118] : memref<4x1024x128xf32, #tpu.memory_space<hbm>> -> memref<1x128x128xf32, #tpu.memory_space<hbm>>
        %dma_start3A_120 = tpu.memref_squeeze %dma_start3A_119 : memref<1x128x128xf32, #tpu.memory_space<hbm>> -> memref<128x128xf32, #tpu.memory_space<hbm>>
        %dma_start3A_121 = arith.constant 768 : i32
        %dma_start3A_122 = arith.constant 0 : i32
        %dma_start3A_123 = tpu.memref_slice %arg6[%add3A, %dma_start3A_121, %dma_start3A_122] : memref<4x1024x128xf32, #tpu.memory_space<hbm>> -> memref<1x128x128xf32, #tpu.memory_space<hbm>>
        %dma_start3A_124 = tpu.memref_squeeze %dma_start3A_123 : memref<1x128x128xf32, #tpu.memory_space<hbm>> -> memref<128x128xf32, #tpu.memory_space<hbm>>
        tpu.enqueue_dma source(%arg11 : memref<128x128xf32, #tpu.memory_space<vmem>>) target(%dma_start3A_124 : memref<128x128xf32, #tpu.memory_space<hbm>>) target_semaphore(%run_scoped3A : memref<!tpu.dma_semaphore, #tpu.memory_space<semaphore_mem>>)
        %dma_wait3A_125 = arith.constant 768 : i32
        %dma_wait3A_126 = arith.constant 0 : i32
        %dma_wait3A_127 = tpu.memref_slice %arg6[%add3A, %dma_wait3A_125, %dma_wait3A_126] : memref<4x1024x128xf32, #tpu.memory_space<hbm>> -> memref<1x128x128xf32, #tpu.memory_space<hbm>>
        %dma_wait3A_128 = tpu.memref_squeeze %dma_wait3A_127 : memref<1x128x128xf32, #tpu.memory_space<hbm>> -> memref<128x128xf32, #tpu.memory_space<hbm>>
        %dma_wait3A_129 = arith.constant 768 : i32
        %dma_wait3A_130 = arith.constant 0 : i32
        %dma_wait3A_131 = tpu.memref_slice %arg6[%add3A, %dma_wait3A_129, %dma_wait3A_130] : memref<4x1024x128xf32, #tpu.memory_space<hbm>> -> memref<1x128x128xf32, #tpu.memory_space<hbm>>
        %dma_wait3A_132 = tpu.memref_squeeze %dma_wait3A_131 : memref<1x128x128xf32, #tpu.memory_space<hbm>> -> memref<128x128xf32, #tpu.memory_space<hbm>>
        tpu.wait_dma2 semaphore(%run_scoped3A : memref<!tpu.dma_semaphore, #tpu.memory_space<semaphore_mem>>) src(%arg11 : memref<128x128xf32, #tpu.memory_space<vmem>>) dst(%dma_wait3A_132 : memref<128x128xf32, #tpu.memory_space<hbm>>)
        tpu.yield
      }) : () -> ()
      %dma_start3A_107 = arith.constant 896 : i32
      %dma_start3A_108 = tpu.memref_slice %arg10[%dma_start3A_107] : memref<1040xi32, #tpu.memory_space<vmem>> -> memref<128xi32, #tpu.memory_space<vmem>>
      %dma_start3A_109 = arith.constant 0 : i32
      %dma_start3A_110 = arith.constant 0 : i32
      %dma_start3A_111 = tpu.memref_slice %arg3[%dma_start3A_109, %dma_start3A_110] : memref<8192x128xf32, #tpu.memory_space<hbm>> -> memref<8192x128xf32, #tpu.memory_space<hbm>>
      tpu.enqueue_indirect_dma source(%dma_start3A_111 : memref<8192x128xf32, #tpu.memory_space<hbm>>) target(%arg11 : memref<128x128xf32, #tpu.memory_space<vmem>>) offsets(%dma_start3A_108 : memref<128xi32, #tpu.memory_space<vmem>>) semaphore(%arg12 : memref<!tpu.dma_semaphore, #tpu.memory_space<semaphore_mem>>)
      %dma_wait3A_112 = arith.constant 896 : i32
      %dma_wait3A_113 = tpu.memref_slice %arg10[%dma_wait3A_112] : memref<1040xi32, #tpu.memory_space<vmem>> -> memref<128xi32, #tpu.memory_space<vmem>>
      %dma_wait3A_114 = arith.constant 0 : i32
      %dma_wait3A_115 = arith.constant 0 : i32
      %dma_wait3A_116 = tpu.memref_slice %arg3[%dma_wait3A_114, %dma_wait3A_115] : memref<8192x128xf32, #tpu.memory_space<hbm>> -> memref<8192x128xf32, #tpu.memory_space<hbm>>
      tpu.wait_indirect_dma semaphore(%arg12 : memref<!tpu.dma_semaphore, #tpu.memory_space<semaphore_mem>>) src(%dma_wait3A_116 : memref<8192x128xf32, #tpu.memory_space<hbm>>) dst(%arg11 : memref<128x128xf32, #tpu.memory_space<vmem>>)
      "tpu.region"() ({
        %run_scoped3A = tpu.sem_alloc : memref<!tpu.dma_semaphore, #tpu.memory_space<semaphore_mem>>
        %dma_start3A_117 = arith.constant 896 : i32
        %dma_start3A_118 = arith.constant 0 : i32
        %dma_start3A_119 = tpu.memref_slice %arg6[%add3A, %dma_start3A_117, %dma_start3A_118] : memref<4x1024x128xf32, #tpu.memory_space<hbm>> -> memref<1x128x128xf32, #tpu.memory_space<hbm>>
        %dma_start3A_120 = tpu.memref_squeeze %dma_start3A_119 : memref<1x128x128xf32, #tpu.memory_space<hbm>> -> memref<128x128xf32, #tpu.memory_space<hbm>>
        %dma_start3A_121 = arith.constant 896 : i32
        %dma_start3A_122 = arith.constant 0 : i32
        %dma_start3A_123 = tpu.memref_slice %arg6[%add3A, %dma_start3A_121, %dma_start3A_122] : memref<4x1024x128xf32, #tpu.memory_space<hbm>> -> memref<1x128x128xf32, #tpu.memory_space<hbm>>
        %dma_start3A_124 = tpu.memref_squeeze %dma_start3A_123 : memref<1x128x128xf32, #tpu.memory_space<hbm>> -> memref<128x128xf32, #tpu.memory_space<hbm>>
        tpu.enqueue_dma source(%arg11 : memref<128x128xf32, #tpu.memory_space<vmem>>) target(%dma_start3A_124 : memref<128x128xf32, #tpu.memory_space<hbm>>) target_semaphore(%run_scoped3A : memref<!tpu.dma_semaphore, #tpu.memory_space<semaphore_mem>>)
        %dma_wait3A_125 = arith.constant 896 : i32
        %dma_wait3A_126 = arith.constant 0 : i32
        %dma_wait3A_127 = tpu.memref_slice %arg6[%add3A, %dma_wait3A_125, %dma_wait3A_126] : memref<4x1024x128xf32, #tpu.memory_space<hbm>> -> memref<1x128x128xf32, #tpu.memory_space<hbm>>
        %dma_wait3A_128 = tpu.memref_squeeze %dma_wait3A_127 : memref<1x128x128xf32, #tpu.memory_space<hbm>> -> memref<128x128xf32, #tpu.memory_space<hbm>>
        %dma_wait3A_129 = arith.constant 896 : i32
        %dma_wait3A_130 = arith.constant 0 : i32
        %dma_wait3A_131 = tpu.memref_slice %arg6[%add3A, %dma_wait3A_129, %dma_wait3A_130] : memref<4x1024x128xf32, #tpu.memory_space<hbm>> -> memref<1x128x128xf32, #tpu.memory_space<hbm>>
        %dma_wait3A_132 = tpu.memref_squeeze %dma_wait3A_131 : memref<1x128x128xf32, #tpu.memory_space<hbm>> -> memref<128x128xf32, #tpu.memory_space<hbm>>
        tpu.wait_dma2 semaphore(%run_scoped3A : memref<!tpu.dma_semaphore, #tpu.memory_space<semaphore_mem>>) src(%arg11 : memref<128x128xf32, #tpu.memory_space<vmem>>) dst(%dma_wait3A_132 : memref<128x128xf32, #tpu.memory_space<hbm>>)
        tpu.yield
      }) : () -> ()
    } else {
    }
    return
  }
}

module attributes {stable_mosaic.version = 14 : i64} {
  func.func @_dist_body(%arg0: i32, %arg1: memref<4x2048xf32, #tpu.memory_space<vmem>>, %arg2: memref<4x2048xf32, #tpu.memory_space<vmem>>, %arg3: memref<4x2048xf32, #tpu.memory_space<vmem>>, %arg4: memref<4x128xf32, #tpu.memory_space<vmem>>, %arg5: memref<4x128xf32, #tpu.memory_space<vmem>>, %arg6: memref<4x128xf32, #tpu.memory_space<vmem>>, %arg7: memref<4x128x2048xf32, #tpu.memory_space<vmem>>) attributes {dimension_semantics = [#tpu.dimension_semantics<arbitrary>], iteration_bounds = array<i64: 16>, scalar_prefetch = 0 : i64, scratch_operands = 0 : i64, tpu.core_type = #tpu.core_type<tc>, window_params = [{pipeline_mode = #tpu.pipeline_mode<synchronous>, transform_indices = @transform_0, window_bounds = array<i64: 4, 2048>}, {pipeline_mode = #tpu.pipeline_mode<synchronous>, transform_indices = @transform_1, window_bounds = array<i64: 4, 2048>}, {pipeline_mode = #tpu.pipeline_mode<synchronous>, transform_indices = @transform_2, window_bounds = array<i64: 4, 2048>}, {transform_indices = @transform_3, window_bounds = array<i64: 4, 128>}, {transform_indices = @transform_4, window_bounds = array<i64: 4, 128>}, {transform_indices = @transform_5, window_bounds = array<i64: 4, 128>}, {transform_indices = @transform_6, window_bounds = array<i64: 4, 128, 2048>}]} {
    %get3A = arith.constant 0 : index
    %get3A_0 = arith.constant 0 : index
    %get3A_1 = vector.load %arg1[%get3A, %get3A_0] : memref<4x2048xf32, #tpu.memory_space<vmem>>, vector<4x2048xf32>
    %broadcast_in_dim3A = vector.shape_cast %get3A_1 : vector<4x2048xf32> to vector<4x1x2048xf32>
    %get3A_2 = arith.constant 0 : index
    %get3A_3 = arith.constant 0 : index
    %get3A_4 = vector.load %arg2[%get3A_2, %get3A_3] : memref<4x2048xf32, #tpu.memory_space<vmem>>, vector<4x2048xf32>
    %broadcast_in_dim3A_5 = vector.shape_cast %get3A_4 : vector<4x2048xf32> to vector<4x1x2048xf32>
    %get3A_6 = arith.constant 0 : index
    %get3A_7 = arith.constant 0 : index
    %get3A_8 = vector.load %arg3[%get3A_6, %get3A_7] : memref<4x2048xf32, #tpu.memory_space<vmem>>, vector<4x2048xf32>
    %broadcast_in_dim3A_9 = vector.shape_cast %get3A_8 : vector<4x2048xf32> to vector<4x1x2048xf32>
    %get3A_10 = arith.constant 0 : index
    %get3A_11 = arith.constant 0 : index
    %get3A_12 = vector.load %arg4[%get3A_10, %get3A_11] : memref<4x128xf32, #tpu.memory_space<vmem>>, vector<4x128xf32>
    %broadcast_in_dim3A_13 = vector.shape_cast %get3A_12 : vector<4x128xf32> to vector<4x128x1xf32>
    %get3A_14 = arith.constant 0 : index
    %get3A_15 = arith.constant 0 : index
    %get3A_16 = vector.load %arg5[%get3A_14, %get3A_15] : memref<4x128xf32, #tpu.memory_space<vmem>>, vector<4x128xf32>
    %broadcast_in_dim3A_17 = vector.shape_cast %get3A_16 : vector<4x128xf32> to vector<4x128x1xf32>
    %get3A_18 = arith.constant 0 : index
    %get3A_19 = arith.constant 0 : index
    %get3A_20 = vector.load %arg6[%get3A_18, %get3A_19] : memref<4x128xf32, #tpu.memory_space<vmem>>, vector<4x128xf32>
    %broadcast_in_dim3A_21 = vector.shape_cast %get3A_20 : vector<4x128xf32> to vector<4x128x1xf32>
    %sub3A = vector.broadcast %broadcast_in_dim3A : vector<4x1x2048xf32> to vector<4x128x2048xf32>
    %sub3A_22 = vector.broadcast %broadcast_in_dim3A_13 : vector<4x128x1xf32> to vector<4x128x2048xf32>
    %sub3A_23 = arith.subf %sub3A, %sub3A_22 : vector<4x128x2048xf32>
    %sub3A_24 = vector.broadcast %broadcast_in_dim3A_5 : vector<4x1x2048xf32> to vector<4x128x2048xf32>
    %sub3A_25 = vector.broadcast %broadcast_in_dim3A_17 : vector<4x128x1xf32> to vector<4x128x2048xf32>
    %sub3A_26 = arith.subf %sub3A_24, %sub3A_25 : vector<4x128x2048xf32>
    %sub3A_27 = vector.broadcast %broadcast_in_dim3A_9 : vector<4x1x2048xf32> to vector<4x128x2048xf32>
    %sub3A_28 = vector.broadcast %broadcast_in_dim3A_21 : vector<4x128x1xf32> to vector<4x128x2048xf32>
    %sub3A_29 = arith.subf %sub3A_27, %sub3A_28 : vector<4x128x2048xf32>
    %mul3A = arith.mulf %sub3A_23, %sub3A_23 : vector<4x128x2048xf32>
    %mul3A_30 = arith.mulf %sub3A_26, %sub3A_26 : vector<4x128x2048xf32>
    %add3A = arith.addf %mul3A, %mul3A_30 : vector<4x128x2048xf32>
    %mul3A_31 = arith.mulf %sub3A_29, %sub3A_29 : vector<4x128x2048xf32>
    %add3A_32 = arith.addf %add3A, %mul3A_31 : vector<4x128x2048xf32>
    %max3A = arith.constant 9.99999996E-13 : f32
    %max3A_33 = vector.broadcast %max3A : f32 to vector<4x128x2048xf32>
    %max3A_34 = arith.maximumf %add3A_32, %max3A_33 : vector<4x128x2048xf32>
    %sqrt3A = math.sqrt %max3A_34 : vector<4x128x2048xf32>
    %swap3A = arith.constant 0 : index
    %swap3A_35 = arith.constant 0 : index
    %swap3A_36 = arith.constant 0 : index
    %swap3A_37 = vector.load %arg7[%swap3A, %swap3A_35, %swap3A_36] : memref<4x128x2048xf32, #tpu.memory_space<vmem>>, vector<4x128x2048xf32>
    tpu.vector_store %arg7[%swap3A, %swap3A_35, %swap3A_36], %sqrt3A {strides = array<i32>} : memref<4x128x2048xf32, #tpu.memory_space<vmem>>, vector<4x128x2048xf32>,
    return
  }
  func.func @transform_0(%arg0: i32) -> (i32, i32) {
    %c0_i32 = arith.constant 0 : i32
    %c0_i32_0 = arith.constant 0 : i32
    %c0_i32_1 = arith.constant 0 : i32
    return %c0_i32, %c0_i32_0 : i32, i32
  }
  func.func @transform_1(%arg0: i32) -> (i32, i32) {
    %c0_i32 = arith.constant 0 : i32
    %c0_i32_0 = arith.constant 0 : i32
    %c0_i32_1 = arith.constant 0 : i32
    return %c0_i32, %c0_i32_0 : i32, i32
  }
  func.func @transform_2(%arg0: i32) -> (i32, i32) {
    %c0_i32 = arith.constant 0 : i32
    %c0_i32_0 = arith.constant 0 : i32
    %c0_i32_1 = arith.constant 0 : i32
    return %c0_i32, %c0_i32_0 : i32, i32
  }
  func.func @transform_3(%arg0: i32) -> (i32, i32) {
    %c0_i32 = arith.constant 0 : i32
    %c0_i32_0 = arith.constant 0 : i32
    return %c0_i32, %arg0 : i32, i32
  }
  func.func @transform_4(%arg0: i32) -> (i32, i32) {
    %c0_i32 = arith.constant 0 : i32
    %c0_i32_0 = arith.constant 0 : i32
    return %c0_i32, %arg0 : i32, i32
  }
  func.func @transform_5(%arg0: i32) -> (i32, i32) {
    %c0_i32 = arith.constant 0 : i32
    %c0_i32_0 = arith.constant 0 : i32
    return %c0_i32, %arg0 : i32, i32
  }
  func.func @transform_6(%arg0: i32) -> (i32, i32, i32) {
    %c0_i32 = arith.constant 0 : i32
    %c0_i32_0 = arith.constant 0 : i32
    %c0_i32_1 = arith.constant 0 : i32
    return %c0_i32, %arg0, %c0_i32_0 : i32, i32, i32
  }
}

</mosaic_0001>

<sc_bundles>
// kernel: kernel.4.cloned.1.call-start
scs
__scs_entry_jumppad:
0x0: {  	(pc) =	sbr.rel $0x88, $3  }
0x1: {  	(tag) =	ssettag $0x0;
	lr =	simm.s32 $0x1  }
0x2: {  	[smem:$0x3FA0] =	sst lr;
	_ =	strace $0xD0000000  }
0x3: {  	_ = 	snop  }
0x4: {  	_ = 	snop  }
0x5: {  	_ = 	snop  }
0x6: {  	_ = 	snop  }
0x7: {  	_ = 	snop  }
__scs_overlays_trampoline_lowered:
0x8: {  	[smem:$0x3FAF] =	sst s0  }
0x9: {  	[smem:$0x3FB0] =	sst s1  }
0xa: {  	[smem:$0x3FB1] =	sst s2  }
0xb: {  	[smem:$0x3FB2] =	sst s3  }
0xc: {  	[smem:$0x3FB3] =	sst s4  }
0xd: {  	[smem:$0x3FB4] =	sst s5  }
0xe: {  	[smem:$0x3FB5] =	sst s6  }
0xf: {  	[smem:$0x3FB6] =	sst s7  }
0x10: {  	[smem:$0x3FB7] =	sst s8  }
0x11: {  	[smem:$0x3FB8] =	sst s9;
	s0 =	simm.s32 @!p0 $0x0  }
0x12: {  	s1 =	sld [smem:$0x3F9E];
	s0 =	simm.s32 @p0 $0x1  }
0x13: {  	[smem:$0x3FB9] =	sst s0;
	s0 =	simm.s32 @!p1 $0x0  }
0x14: {  	s2 =	sld [smem:$0x3F9D];
	s0 =	simm.s32 @p1 $0x1  }
0x15: {  	[smem:$0x3FBA] =	sst s0;
	s0 =	simm.s32 @!p2 $0x0  }
0x16: {  	s3 =	sld [smem:$0x3FDB];
	s0 =	simm.s32 @p2 $0x1  }
0x17: {  	s4 =	simm.s32 $0x1BF5;
	[smem:$0x3FBC] =	sst s0  }
0x18: {  	s0 =	sld [smem:$0x3F9F];
	_ =	swait.ge [sflag:s4], $0x0  }
0x19: {  	s7 =	sld [smem:$0x3FA0]  }
0x1a: {  	s8 =	sadd.s32 $0xFFFFE003, lr  }
0x1b: {  	s9 =	sadd.s32 $0xFFFFFEF7, lr;
	s5 =	simm.s32 $0xFFFFFFFF;
	p2 =	slt.u32 s8, $0xFFFFF086  }
0x1c: {  	p1 =	slt.u32 s9, $0xF7A;
	s5 =	simm.s32 @!p2 $0x0  }
0x1d: {  	s5 =	simm.s32 @p1 $0x1;
	p0 =	seq.s32 s7, s2  }
0x1e: {  	s7 =	smul.u32 @!p0 $0xF7A, s2;
	p2 =	seq.s32 @!p0 s5, $0x0  }
0x1f: {  	s9 =	smul.u32 $0xF7A, s1;
	s8 =	simm.s32 @!p0 $0x1BF5;
	p2 =	por !p2, p0  }
0x20: {  	[sflag:s8] =	ssyncset.s32 @!p0 $0xFFFFF086;
	s6 =	sadd.s32 @!p0 s3, s7;
	s7 =	simm.s32 @!p0 $0x108  }
0x21: {  	s3 =	sadd.s32 s3, s9;
	s6 =	sadd.s32 @!p0 $0x88, s6;
	s7 =	simm.s32 @p2 $0x1082  }
0x22: {  	[simem:s7], [sflag:s8] =	dma.local @!p0 [hbm:s6], $0xF7A  }
0x23: {  	s9 =	sor.u32 $0xD0000000, s2;
	s6 =	simm.s32 $0x108;
	_ =	swait.ge @!p0 [sflag:s8], $0x0  }
0x24: {  	s3 =	sadd.s32 $0x88, s3;
	s6 =	simm.s32 @!p1 $0x1082;
	[sflag:s4] =	ssyncset.s32 $0xFFFFF086  }
0x25: {  	[simem:s6], [sflag:s4] =	dma.local [hbm:s3], $0xF7A  }
0x26: {  	[smem:$0x3FA0] =	sst s1;
	(tag) =	ssettag s2;
	_ =	strace s9  }
0x27: {  	s1 =	sld [smem:$0x3FB0]  }
0x28: {  	s2 =	sld [smem:$0x3FB1]  }
0x29: {  	s4 =	sld [smem:$0x3FB3]  }
0x2a: {  	p0 =	seq.s32 s5, $0x0;
	s5 =	sld [smem:$0x3FB4]  }
0x2b: {  	s6 =	sld [smem:$0x3FB5]  }
0x2c: {  	s7 =	sld [smem:$0x3FB6]  }
0x2d: {  	s3 =	simm.s32 $0x108;
	s8 =	sld [smem:$0x3FB7]  }
0x2e: {  	s3 =	simm.s32 @!p0 $0x1082;
	s9 =	sld [smem:$0x3FB8]  }
0x2f: {  	lr =	sadd.s32 s0, s3;
	s0 =	sld [smem:$0x3FAF]  }
0x30: {  	s3 =	sld [smem:$0x3FB2]  }
0x31: {  	[smem:$0x3FBB] =	sst s10  }
0x32: {  	s10 =	sld [smem:$0x3FB9];
	_ =	sdelay $0x3  }
0x33: {  	p0 =	seq.s32 s10, $0x1;
	s10 =	sld [smem:$0x3FBB];
	_ =	sdelay $0x3  }
0x34: {  	[smem:$0x3FBB] =	sst s10  }
0x35: {  	s10 =	sld [smem:$0x3FBA];
	_ =	sdelay $0x3  }
0x36: {  	p1 =	seq.s32 s10, $0x1;
	s10 =	sld [smem:$0x3FBB];
	_ =	sdelay $0x3  }
0x37: {  	[smem:$0x3FBB] =	sst s10  }
0x38: {  	s10 =	sld [smem:$0x3FBC]  }
0x39: {  	_ = 	snop;
	(pc) =	sbr.ind lr, $3  }
0x3a: {  	_ = 	snop  }
0x3b: {  	_ = 	snop  }
0x3c: {  	p2 =	seq.s32 s10, $0x1;
	s10 =	sld [smem:$0x3FBB]  }
0x3d: {  	_ =	shalt  }
0x3e: {  	_ =	shalt  }
0x3f: {  	_ =	shalt  }
0x40: {  	_ =	shalt  }
0x41: {  	_ =	shalt  }
0x42: {  	_ =	shalt  }
0x43: {  	_ =	shalt  }
0x44: {  	_ =	shalt  }
0x45: {  	_ =	shalt  }
0x46: {  	_ =	shalt  }
0x47: {  	_ =	shalt  }
0x48: {  	_ =	shalt  }
0x49: {  	_ =	shalt  }
0x4a: {  	_ =	shalt  }
0x4b: {  	_ =	shalt  }
0x4c: {  	_ =	shalt  }
0x4d: {  	_ =	shalt  }
0x4e: {  	_ =	shalt  }
0x4f: {  	_ =	shalt  }
0x50: {  	_ =	shalt  }
0x51: {  	_ =	shalt  }
0x52: {  	_ =	shalt  }
0x53: {  	_ =	shalt  }
0x54: {  	_ =	shalt  }
0x55: {  	_ =	shalt  }
0x56: {  	_ =	shalt  }
0x57: {  	_ =	shalt  }
0x58: {  	_ =	shalt  }
0x59: {  	_ =	shalt  }
0x5a: {  	_ =	shalt  }
0x5b: {  	_ =	shalt  }
0x5c: {  	_ =	shalt  }
0x5d: {  	_ =	shalt  }
0x5e: {  	_ =	shalt  }
0x5f: {  	_ =	shalt  }
0x60: {  	_ =	shalt  }
0x61: {  	_ =	shalt  }
0x62: {  	_ =	shalt  }
0x63: {  	_ =	shalt  }
0x64: {  	_ =	shalt  }
0x65: {  	_ =	shalt  }
0x66: {  	_ =	shalt  }
0x67: {  	_ =	shalt  }
0x68: {  	_ =	shalt  }
0x69: {  	_ =	shalt  }
0x6a: {  	_ =	shalt  }
0x6b: {  	_ =	shalt  }
0x6c: {  	_ =	shalt  }
0x6d: {  	_ =	shalt  }
0x6e: {  	_ =	shalt  }
0x6f: {  	_ =	shalt  }
0x70: {  	_ =	shalt  }
0x71: {  	_ =	shalt  }
0x72: {  	_ =	shalt  }
0x73: {  	_ =	shalt  }
0x74: {  	_ =	shalt  }
0x75: {  	_ =	shalt  }
0x76: {  	_ =	shalt  }
0x77: {  	_ =	shalt  }
0x78: {  	_ =	shalt  }
0x79: {  	_ =	shalt  }
0x7a: {  	_ =	shalt  }
0x7b: {  	_ =	shalt  }
0x7c: {  	_ =	shalt  }
0x7d: {  	_ =	shalt  }
0x7e: {  	_ =	shalt  }
0x7f: {  	_ =	shalt  }
0x80: {  	_ =	shalt  }
0x81: {  	_ =	shalt  }
0x82: {  	_ =	shalt  }
0x83: {  	_ =	shalt  }
0x84: {  	_ =	shalt  }
0x85: {  	_ =	shalt  }
0x86: {  	_ =	shalt  }
0x87: {  	_ =	shalt  }
.Lfunc_end0:
.L_simem_size_0:
called_computation_lowered:
.L_overlay_start_0:
0x88: {  	s2 =	sld [smem:$0x3FD9]  }
0x89: {  	s3 =	sld [smem:$0x3FFE];
	_ =	sdelay $0x1  }
0x8a: {  	s1 =	srdreg.scid  }
0x8b: {  	s0 =	sand.u32 $0x1, s1  }
0x8c: {  	s17 =	sshll.u32 s0, $0xA;
	s2 =	sadd.s32 s3, s2  }
0x8d: {  	s2 =	sadd.s32 s2, s17  }
0x8e: {  	[smem:$0x3FC7] =	sst s2  }
0x8f: {  	_ = 	snop  }
0x90: {  	s2 =	sld [smem:$0x3FD0];
	(tm) =	ssettm $0x1  }
0x91: {  	s18 =	sld [smem:$0x3FFB];
	_ =	sdelay $0x3  }
0x92: {  	_ =	strace s18  }
0x93: {  	s3 =	sld [smem:$0x3FFC];
	_ =	sdelay $0x3  }
0x94: {  	_ =	strace s3  }
0x95: {  	s3 =	sld [smem:$0x3FFD];
	_ =	sdelay $0x3  }
0x96: {  	_ =	strace s3  }
0x97: {  	_ =	strace $0x8FFFFFFF  }
0x98: {  	s19 =	sld [smem:$0x3FDB];
	_ =	sdelay $0x1  }
0x99: {  	s4 =	simm.s32 $_scs_section_size  }
0x9a: {  	s5 =	simm.s32 $_size__tile_overlayer_lowered;
	s6 =	simm.s32 $_tile_overlayer_lowered  }
0x9b: {  	s22 =	simm.s32 $0x1BFF;
	s21 =	sshll.u32 s6, $0x1;
	s3 =	sadd.s32 s4, s19  }
0x9c: {  	s7 =	simm.s32 $0x0;
	s20 =	sshll.u32 s5, $0x1;
	s5 =	sadd.s32 s21, s3  }
0x9d: {  	[timem:s7], [sflag:s22] =	dma.local [hbm:s5], s20  }
0x9e: {  	_ =	swait.ge [sflag:s22], s20  }
0x9f: {  	s4 =	ssub.s32 $0x0, s20;
	[sflag:s22] =	ssyncset.done $0x0  }
0xa0: {  	[sflag:s22] =	ssyncadd.s32 s4;
	_ =	sdelay $0x1  }
0xa1: {  	s23 =	simm.s32 $0x1B8B  }
0xa2: {  	_ =	swait.ge [sflag:s23], $0x1  }
0xa3: {  	[sflag:s23] =	ssyncset.done $0x0  }
0xa4: {  	s25 =	simm.s32 $0x1B8E;
	s24 =	sld [smem:$0x3FFE];
	[sflag:s23] =	ssyncadd.s32 $0xFFFFFFFF  }
0xa5: {  	s26 =	simm.s32 $execute0_lowered;
	[smem:$0x3FD2] =	sst s25  }
0xa6: {  	s5 =	sshll.u32 s26, $0x1;
	_ =	strace $0x80000046;
	[dreg:$0x1] =	wrdreg $0xFFFFFFFF  }
0xa7: {  	s28 =	simm.s32 $_size_execute0_lowered;
	s3 =	sadd.s32 s3, s5;
	[dreg:$0x0] =	wrdreg $0x0  }
0xa8: {  	s5 =	sshll.u32 s28, $0x1;
	[dreg:$0x2] =	wrdreg s3  }
0xa9: {  	[dreg:$0x3] =	wrdreg s5  }
0xaa: {  	[dreg:$0x4] =	wrdreg $0xC0  }
0xab: {  	_ =	task [dreg:s7], $0x5FFFF  }
0xac: {  	[dreg:$0x1] =	wrdreg $0xFFFFFFFF  }
0xad: {  	[dreg:$0x0] =	wrdreg $0x60  }
0xae: {  	[dreg:$0x2] =	wrdreg s24  }
0xaf: {  	[dreg:$0x3] =	wrdreg s2  }
0xb0: {  	[dreg:$0x4] =	wrdreg $0x9  }
0xb1: {  	_ =	task.clear_ibuf [dreg:s7], $0x5FFFF;
	_ =	strace $0x90000046  }
0xb2: {  	s29 =	simm.s32 $0x9;
	_ =	strace $0x80000048  }
0xb3: {  	_ =	swait.ge [sflag:s29], $0x1  }
0xb4: {  	[sflag:s29] =	ssyncadd.s32 $0xFFFFFFFF  }
0xb5: {  	_ =	strace $0x90000048  }
0xb6: {  	_ =	sfence  }
0xb7: {  	s30 =	sld [smem:$0x0];
	_ =	sdelay $0x2  }
0xb8: {  	s31 =	sshll.u32 s1, $0xD;
	s1 =	sshrl.u32 s1, $0x2  }
0xb9: {  	s3 =	sand.u32 $0x4000, s31;
	s1 =	sadd.s32 s1, s30  }
0xba: {  	s0 =	sor.u32 s3, s0;
	s1 =	sshll.u32 s1, $0x11  }
0xbb: {  	s0 =	sor.u32 s1, s0  }
0xbc: {  	s0 =	sadd.s32 $0x8F2B, s0  }
0xbd: {  	[sflag:s0] =	ssyncadd.remote.s32 $0x1  }
0xbe: {  	_ =	sfence.sel $0xFFFF  }
0xbf: {  	[dreg:$0x0] =	wrdreg $0xFFFFFFFF;
	(pc) =	sbr.abs _section_cstart, $3  }
0xc0: {  	[dreg:$0x1] =	wrdreg $0xFFFFFFFF  }
0xc1: {  	_ =	task.clear_ibuf [dreg:s7], $0x2FFFF;
	_ =	strace $0x9FFFFFFF  }
0xc2: {  	(tm) =	ssettm $0x7FFFFFFF  }
0xc3: {  	_ =	shalt  }
tec
execute0_lowered:
.L_overlay_start_1:
0x0: {  	(tag) =	ssettag $0x1  }
0x1: {  	v0 =	vlaneseq.u32;
	v3 =	vimm.f32 $+Inf  }
0x2: {  	v10 =	vimm.s32 $0xEFCDAB89;
	v11 =	vimm.s32 $0x67452301;
	v14 =	vimm.s32 $0xDCFE98BA  }
0x3: {  	s0 =	srdreg.scid;
	v19 =	vimm.s32 $0x32107654;
	v20 =	vimm.s32 $0xFEDCBA98;
	v4 =	vor.u32 $0x80, v0  }
0x4: {  	s16 =	stileid.u32;
	s7 =	rddreg [dreg:$0x0];
	v5 =	vor.u32 $0x100, v0;
	v6 =	vor.u32 $0x180, v0;
	v7 =	vor.u32 $0x200, v0  }
0x5: {  	s17 =	simm.s32 $0x5580;
	s18 =	simm.s32 $0x2;
	s19 =	simm.s32 $0x10;
	v8 =	vor.u32 $0x280, v0;
	v12 =	vunpack.c.l.s4.s8 v10;
	v13 =	vunpack.c.l.s4.s8 v11  }
0x6: {  	s20 =	simm.s32 $0x1000;
	s21 =	simm.s32 $0x800;
	s22 =	simm.s32 $0x1;
	v9 =	vor.u32 $0x300, v0;
	v10 =	vor.u32 $0x380, v0;
	v11 =	vor.u32 $0x400, v0  }
0x7: {  	s23 =	simm.s32 $0x80;
	s25 =	simm.s32 $0x1500;
	s24 =	simm.s32 $0x0;
	v17 =	vunpack.c.l.s4.s8 v14;
	v15 =	vunpack.c.0.s8.s32 v12;
	v16 =	vunpack.c.0.s8.s32 v13  }
0x8: {  	s0 =	sand.u32 $0x1, s0;
	s1 =	sshll.u32 s16, $0x1;
	s4 =	sadd.s32 $0x200600, s7;
	v14 =	vor.u32 $0x580, v0;
	v19 =	vunpack.c.l.s4.s8 v19;
	v20 =	vunpack.c.l.s4.s8 v20  }
0x9: {  	s5 =	sadd.s32 $0x600, s7;
	s6 =	sadd.s32 $0x20600, s7;
	s1 =	sor.u32 s0, s1;
	v12 =	vor.u32 $0x480, v0;
	v18 =	vcombine.low v16, v15;
	v15 =	vimm.s32 $0x54761032  }
0xa: {  	p0 =	sgt.u32 s16, $0x1;
	s16 =	simm.s32 $0x5500;
	s2 =	sshll.u32 s1, $0xF;
	v16 =	vunpack.c.0.s8.s32 v17;
	v17 =	vimm.s32 $0xBA98FEDC;
	v15 =	vunpack.c.l.s4.s8 v15  }
0xb: {  	s0 =	ssub.s32 $0x2, s0;
	s3 =	sshll.u32 s1, $0xB;
	s1 =	sshll.u32 s1, $0xE;
	v20 =	vunpack.c.0.s8.s32 v20;
	v1 =	vor.u32 s2, v0;
	v17 =	vunpack.c.l.s4.s8 v17  }
0xc: {  	s12 =	sshrl.u32 s0, $0x1;
	s2 =	rddreg [dreg:$0x1];
	v2 =	vmov s3;
	s3 =	simm.s32 $0x0;
	v21 =	vunpack.c.0.s8.s32 v15;
	v15 =	vimm.s32 $0x76543210  }
.Ltmp0:
0xd: {  	v19 =	vunpack.c.0.s8.s32 v19;
	s1 =	sadd.s32 s1, s7;
	s0 =	ssub.s32 s0, s12;
	v17 =	vunpack.c.0.s8.s32 v17;
	v22 =	vunpack.c.l.s4.s8 v15;
	(pc) =	sbr.rel .LBB2_1-.Ltmp0, $4  }
0xe: {  	v13 =	vor.u32 $0x500, v0;
	[smem:$0x7FF] =	sst s3;
	s7 =	sadd.s32 $0x20800, s1;
	s8 =	sadd.s32 $0x21000, s1;
	v24 =	vand.u32 $0xF, v20;
	v18 =	vand.u32 $0xF, v18  }
0xf: {  	s9 =	sadd.s32 $0x21800, s1;
	s10 =	sadd.s32 $0x22000, s1;
	s11 =	sadd.s32 $0x22800, s1;
	v21 =	vcombine.low v21, v16;
	v23 =	vcombine.low v19, v17;
	v22 =	vunpack.c.0.s8.s32 v22  }
0x10: {  	s12 =	sadd.s32 $0x23000, s1;
	s13 =	sadd.s32 $0x23800, s1;
	s14 =	sadd.s32 $0x24000, s1;
	v15 =	vor.u32 $0x600, v0;
	v16 =	vor.u32 $0x680, v0;
	v17 =	vor.u32 $0x700, v0  }
0x11: {  	s15 =	smax.u32 s0, $0x1;
	s0 =	simm.s32 $0x1400;
	_ =	strace $0x80000047;
	v19 =	vand.u32 $0xF, v21;
	v20 =	vand.u32 $0xF, v23;
	v21 =	vcombine.low v24, v22  }
.LBB2_37:
0x12: {  	s24 =	sadd.s32 $0x1, s24  }
0x13: {  	p1 =	sne.s32 s24, s15  }
.Ltmp1:
0x14: {  	_ = 	snop;
	(pc) =	sbr.rel @!p1 .LBB2_38-.Ltmp1, $1  }
0x15: {  	_ =	sdelay $0x3  }
.LBB2_1:
0x16: {  	[tilespmem:s16], [sflag:$0x2] =	stream.linear.gather [hbm4b:s2+s3], $0x1, $0x38;
	[tilespmem:$0x5600] =	vst v63  }
0x17: {  	_ = 	snop  }
0x18: {  	[tilespmem:s17], [sflag:$0x2] =	stream.linear.gather [hbm4b:s6+s3], $0x1, $0x38;
	[tilespmem:$0x5600] =	vst v63  }
0x19: {  	_ =	swait.ge [sflag:s18], $0x1  }
.Ltmp2:
0x1a: {  	[sflag:s18] =	ssyncset.done $0x0;
	(pc) =	sbr.rel @p0 .LBB2_37-.Ltmp2, $4  }
0x1b: {  	[sflag:s18] =	ssyncadd.s32 $0xFFFFFFFF  }
0x1c: {  	_ =	swait.ge [sflag:s18], $0x1  }
0x1d: {  	[sflag:s18] =	ssyncset.done $0x0  }
0x1e: {  	[sflag:s18] =	ssyncadd.s32 $0xFFFFFFFF  }
0x1f: {  	v22 =	vld.msk [tilespmem:$0x5500 ss:$0x0], $0xffff  }
0x20: {  	v23 =	vld.msk [tilespmem:$0x5580 ss:$0x0], $0xffff;
	[tilespmem:$0x0] =	vst v3  }
0x21: {  	[tilespmem:$0x80] =	vst v3  }
0x22: {  	[tilespmem:$0x100] =	vst v3  }
0x23: {  	[tilespmem:$0x180] =	vst v3  }
0x24: {  	[tilespmem:$0x200] =	vst v3  }
0x25: {  	[tilespmem:$0x280] =	vst v3  }
0x26: {  	[tilespmem:$0x300] =	vst v3  }
0x27: {  	[tilespmem:$0x380] =	vst v3  }
0x28: {  	[tilespmem:$0x400] =	vst v3  }
0x29: {  	[tilespmem:$0x480] =	vst v3  }
0x2a: {  	[tilespmem:$0x500] =	vst v3  }
0x2b: {  	[tilespmem:$0x580] =	vst v3  }
0x2c: {  	[tilespmem:$0x600] =	vst v3  }
0x2d: {  	[tilespmem:$0x680] =	vst v3  }
0x2e: {  	[tilespmem:$0x700] =	vst v3  }
0x2f: {  	[tilespmem:$0x780] =	vst v3  }
0x30: {  	[tilespmem:$0x10] =	vst v3  }
0x31: {  	[tilespmem:$0x90] =	vst v3  }
0x32: {  	[tilespmem:$0x110] =	vst v3  }
0x33: {  	[tilespmem:$0x190] =	vst v3  }
0x34: {  	[tilespmem:$0x210] =	vst v3  }
0x35: {  	[tilespmem:$0x290] =	vst v3  }
0x36: {  	[tilespmem:$0x310] =	vst v3  }
0x37: {  	[tilespmem:$0x390] =	vst v3  }
0x38: {  	[tilespmem:$0x410] =	vst v3  }
0x39: {  	[tilespmem:$0x490] =	vst v3  }
0x3a: {  	[tilespmem:$0x510] =	vst v3  }
0x3b: {  	[tilespmem:$0x590] =	vst v3  }
0x3c: {  	[tilespmem:$0x610] =	vst v3  }
0x3d: {  	[tilespmem:$0x690] =	vst v3  }
0x3e: {  	[tilespmem:$0x710] =	vst v3  }
0x3f: {  	[tilespmem:$0x790] =	vst v3  }
0x40: {  	[tilespmem:$0x20] =	vst v3  }
0x41: {  	[tilespmem:$0xA0] =	vst v3  }
0x42: {  	[tilespmem:$0x120] =	vst v3  }
0x43: {  	[tilespmem:$0x1A0] =	vst v3  }
0x44: {  	[tilespmem:$0x220] =	vst v3  }
0x45: {  	[tilespmem:$0x2A0] =	vst v3  }
0x46: {  	[tilespmem:$0x320] =	vst v3  }
0x47: {  	[tilespmem:$0x3A0] =	vst v3  }
0x48: {  	[tilespmem:$0x420] =	vst v3  }
0x49: {  	[tilespmem:$0x4A0] =	vst v3  }
0x4a: {  	[tilespmem:$0x520] =	vst v3  }
0x4b: {  	[tilespmem:$0x5A0] =	vst v3  }
0x4c: {  	[tilespmem:$0x620] =	vst v3  }
0x4d: {  	[tilespmem:$0x6A0] =	vst v3  }
0x4e: {  	[tilespmem:$0x720] =	vst v3  }
0x4f: {  	[tilespmem:$0x7A0] =	vst v3  }
0x50: {  	[tilespmem:$0x30] =	vst v3  }
0x51: {  	[tilespmem:$0xB0] =	vst v3  }
0x52: {  	[tilespmem:$0x130] =	vst v3  }
0x53: {  	[tilespmem:$0x1B0] =	vst v3  }
0x54: {  	[tilespmem:$0x230] =	vst v3  }
0x55: {  	[tilespmem:$0x2B0] =	vst v3  }
0x56: {  	[tilespmem:$0x330] =	vst v3  }
0x57: {  	[tilespmem:$0x3B0] =	vst v3  }
0x58: {  	[tilespmem:$0x430] =	vst v3  }
0x59: {  	[tilespmem:$0x4B0] =	vst v3  }
0x5a: {  	[tilespmem:$0x530] =	vst v3  }
0x5b: {  	[tilespmem:$0x5B0] =	vst v3  }
0x5c: {  	[tilespmem:$0x630] =	vst v3  }
0x5d: {  	[tilespmem:$0x6B0] =	vst v3  }
0x5e: {  	[tilespmem:$0x730] =	vst v3  }
0x5f: {  	[tilespmem:$0x7B0] =	vst v3  }
0x60: {  	[tilespmem:$0x40] =	vst v3  }
0x61: {  	[tilespmem:$0xC0] =	vst v3  }
0x62: {  	[tilespmem:$0x140] =	vst v3  }
0x63: {  	[tilespmem:$0x1C0] =	vst v3  }
0x64: {  	[tilespmem:$0x240] =	vst v3  }
0x65: {  	[tilespmem:$0x2C0] =	vst v3  }
0x66: {  	[tilespmem:$0x340] =	vst v3  }
0x67: {  	[tilespmem:$0x3C0] =	vst v3  }
0x68: {  	[tilespmem:$0x440] =	vst v3  }
0x69: {  	[tilespmem:$0x4C0] =	vst v3  }
0x6a: {  	[tilespmem:$0x540] =	vst v3  }
0x6b: {  	[tilespmem:$0x5C0] =	vst v3  }
0x6c: {  	[tilespmem:$0x640] =	vst v3  }
0x6d: {  	[tilespmem:$0x6C0] =	vst v3  }
0x6e: {  	[tilespmem:$0x740] =	vst v3  }
0x6f: {  	[tilespmem:$0x7C0] =	vst v3  }
0x70: {  	[tilespmem:$0x50] =	vst v3  }
0x71: {  	[tilespmem:$0xD0] =	vst v3  }
0x72: {  	[tilespmem:$0x150] =	vst v3  }
0x73: {  	[tilespmem:$0x1D0] =	vst v3  }
0x74: {  	[tilespmem:$0x250] =	vst v3  }
0x75: {  	[tilespmem:$0x2D0] =	vst v3  }
0x76: {  	[tilespmem:$0x350] =	vst v3  }
0x77: {  	[tilespmem:$0x3D0] =	vst v3  }
0x78: {  	[tilespmem:$0x450] =	vst v3  }
0x79: {  	[tilespmem:$0x4D0] =	vst v3  }
0x7a: {  	[tilespmem:$0x550] =	vst v3  }
0x7b: {  	[tilespmem:$0x5D0] =	vst v3  }
0x7c: {  	[tilespmem:$0x650] =	vst v3  }
0x7d: {  	[tilespmem:$0x6D0] =	vst v3  }
0x7e: {  	[tilespmem:$0x750] =	vst v3  }
0x7f: {  	[tilespmem:$0x7D0] =	vst v3  }
0x80: {  	[tilespmem:$0x60] =	vst v3  }
0x81: {  	[tilespmem:$0xE0] =	vst v3  }
0x82: {  	[tilespmem:$0x160] =	vst v3  }
0x83: {  	[tilespmem:$0x1E0] =	vst v3  }
0x84: {  	[tilespmem:$0x260] =	vst v3  }
0x85: {  	[tilespmem:$0x2E0] =	vst v3  }
0x86: {  	[tilespmem:$0x360] =	vst v3  }
0x87: {  	[tilespmem:$0x3E0] =	vst v3  }
0x88: {  	[tilespmem:$0x460] =	vst v3  }
0x89: {  	[tilespmem:$0x4E0] =	vst v3  }
0x8a: {  	[tilespmem:$0x560] =	vst v3  }
0x8b: {  	[tilespmem:$0x5E0] =	vst v3  }
0x8c: {  	[tilespmem:$0x660] =	vst v3  }
0x8d: {  	[tilespmem:$0x6E0] =	vst v3  }
0x8e: {  	[tilespmem:$0x760] =	vst v3  }
0x8f: {  	[tilespmem:$0x7E0] =	vst v3  }
0x90: {  	[tilespmem:$0x70] =	vst v3  }
0x91: {  	[tilespmem:$0xF0] =	vst v3  }
0x92: {  	[tilespmem:$0x170] =	vst v3  }
0x93: {  	[tilespmem:$0x1F0] =	vst v3  }
0x94: {  	[tilespmem:$0x270] =	vst v3  }
0x95: {  	[tilespmem:$0x2F0] =	vst v3  }
0x96: {  	[tilespmem:$0x370] =	vst v3  }
0x97: {  	[tilespmem:$0x3F0] =	vst v3  }
0x98: {  	[tilespmem:$0x470] =	vst v3  }
0x99: {  	[tilespmem:$0x4F0] =	vst v3  }
0x9a: {  	[tilespmem:$0x570] =	vst v3  }
0x9b: {  	[tilespmem:$0x5F0] =	vst v3  }
0x9c: {  	[tilespmem:$0x670] =	vst v3  }
0x9d: {  	[tilespmem:$0x6F0] =	vst v3  }
0x9e: {  	[tilespmem:$0x770] =	vst v3  }
0x9f: {  	[tilespmem:$0x7F0] =	vst v3  }
0xa0: {  	[tilespmem:$0x1000] =	vst v1  }
0xa1: {  	[tilespmem:s21], [sflag:$0x1] =	stream.indirect.gather [hbm4b:s4+s19], $0x80, s20, s19, $0xb8;
	[tilespmem:$0x5600] =	vst v63  }
0xa2: {  	_ =	swait.ge [sflag:s22], $0x800  }
0xa3: {  	[sflag:s22] =	ssyncset.done $0x0  }
0xa4: {  	s26 =	simm.s32 $0x0;
	[sflag:s22] =	ssyncadd.s32 $0xFFFFF800  }
.LBB2_3:
0xa5: {  	s29 =	simm.s32 $0x800  }
0xa6: {  	s31 =	simm.s32 $0x10;
	s28 =	simm.s32 $0x0;
	v24 =	vmov v22;
	s30 =	simm.s32 $0x0;
	v25 =	vmov v23;
	v26 =	vld [tilespmem:s29+$0x0]  }
.LBB2_4:
0xa7: {  	p1 =	sne.s32 s31, $0x70;
	v27 =	vld [tilespmem:s28+$0x0];
	_ =	sdelay $0x2  }
.Ltmp3:
0xa8: {  	(pc) =	sbr.rel @p1 .LBB2_4-.Ltmp3, $4  }
0xa9: {  	_ = 	snop  }
0xaa: {  	v27 =	vmin.f32 v27, v26  }
0xab: {  	v28 =	vor.u32 s30, v0;
	s29 =	sadd.s32 $0x10, s29;
	s30 =	smov.u32 s31;
	[tilespmem:s28+$0x0] =	vst v27;
	vm0 =	vgt.f32 v27, v24  }
0xac: {  	s31 =	sadd.s32 $0x10, s31;
	s28 =	sadd.s32 $0x10, s28;
	v26 =	vld [tilespmem:s29+$0x0];
	v24 =	vsel vm0, v27, v24;
	v25 =	vsel vm0, v28, v25  }
0xad: {  	v27 =	vld [tilespmem:s28+$0x0];
	_ =	sdelay $0x4  }
0xae: {  	v26 =	vmin.f32 v27, v26  }
0xaf: {  	s29 =	simm.s32 $0x80;
	v27 =	vor.u32 s30, v0;
	s30 =	simm.s32 $0x880;
	[tilespmem:s28+$0x0] =	vst v26;
	vm0 =	vgt.f32 v26, v24  }
0xb0: {  	s1 =	simm.s32 $0x10;
	s31 =	simm.s32 $0x0;
	s28 =	simm.s32 $0x0;
	v24 =	vsel vm0, v26, v24;
	v25 =	vsel vm0, v27, v25;
	v26 =	vld [tilespmem:s30+$0x0]  }
.LBB2_6:
0xb1: {  	p1 =	sne.s32 s1, $0x70;
	v27 =	vld [tilespmem:s29+$0x0];
	_ =	sdelay $0x2  }
.Ltmp4:
0xb2: {  	(pc) =	sbr.rel @p1 .LBB2_6-.Ltmp4, $4  }
0xb3: {  	_ = 	snop  }
0xb4: {  	v27 =	vmin.f32 v27, v26  }
0xb5: {  	v28 =	vor.u32 s31, v4;
	s30 =	sadd.s32 $0x10, s30;
	s31 =	smov.u32 s1;
	[tilespmem:s29+$0x0] =	vst v27;
	vm0 =	vgt.f32 v27, v24  }
0xb6: {  	s1 =	sadd.s32 $0x10, s1;
	s29 =	sadd.s32 $0x10, s29;
	v26 =	vld [tilespmem:s30+$0x0];
	v24 =	vsel vm0, v27, v24;
	v25 =	vsel vm0, v28, v25  }
0xb7: {  	v27 =	vld [tilespmem:s29+$0x0];
	_ =	sdelay $0x4  }
0xb8: {  	v26 =	vmin.f32 v27, v26  }
0xb9: {  	s30 =	simm.s32 $0x900;
	v27 =	vor.u32 s31, v4;
	[tilespmem:s29+$0x0] =	vst v26;
	vm0 =	vgt.f32 v26, v24  }
0xba: {  	s1 =	simm.s32 $0x10;
	s29 =	simm.s32 $0x100;
	v24 =	vsel vm0, v26, v24;
	v25 =	vsel vm0, v27, v25;
	v26 =	vld [tilespmem:s30+$0x0]  }
.LBB2_8:
0xbb: {  	p1 =	sne.s32 s1, $0x70;
	v27 =	vld [tilespmem:s29+$0x0];
	_ =	sdelay $0x2  }
.Ltmp5:
0xbc: {  	(pc) =	sbr.rel @p1 .LBB2_8-.Ltmp5, $4  }
0xbd: {  	_ = 	snop  }
0xbe: {  	v27 =	vmin.f32 v27, v26  }
0xbf: {  	v28 =	vor.u32 s28, v5;
	s30 =	sadd.s32 $0x10, s30;
	s28 =	smov.u32 s1;
	[tilespmem:s29+$0x0] =	vst v27;
	vm0 =	vgt.f32 v27, v24  }
0xc0: {  	s1 =	sadd.s32 $0x10, s1;
	s29 =	sadd.s32 $0x10, s29;
	v26 =	vld [tilespmem:s30+$0x0];
	v24 =	vsel vm0, v27, v24;
	v25 =	vsel vm0, v28, v25  }
0xc1: {  	v27 =	vld [tilespmem:s29+$0x0];
	_ =	sdelay $0x4  }
0xc2: {  	v26 =	vmin.f32 v27, v26  }
0xc3: {  	s30 =	simm.s32 $0x980;
	s1 =	simm.s32 $0x10;
	v27 =	vor.u32 s28, v5;
	[tilespmem:s29+$0x0] =	vst v26;
	vm0 =	vgt.f32 v26, v24  }
0xc4: {  	s31 =	simm.s32 $0x0;
	s28 =	simm.s32 $0x0;
	s29 =	simm.s32 $0x180;
	v24 =	vsel vm0, v26, v24;
	v25 =	vsel vm0, v27, v25;
	v26 =	vld [tilespmem:s30+$0x0]  }
.LBB2_10:
0xc5: {  	p1 =	sne.s32 s1, $0x70;
	v27 =	vld [tilespmem:s29+$0x0];
	_ =	sdelay $0x2  }
.Ltmp6:
0xc6: {  	(pc) =	sbr.rel @p1 .LBB2_10-.Ltmp6, $4  }
0xc7: {  	_ = 	snop  }
0xc8: {  	v27 =	vmin.f32 v27, v26  }
0xc9: {  	v28 =	vor.u32 s31, v6;
	s30 =	sadd.s32 $0x10, s30;
	s31 =	smov.u32 s1;
	[tilespmem:s29+$0x0] =	vst v27;
	vm0 =	vgt.f32 v27, v24  }
0xca: {  	s1 =	sadd.s32 $0x10, s1;
	s29 =	sadd.s32 $0x10, s29;
	v26 =	vld [tilespmem:s30+$0x0];
	v24 =	vsel vm0, v27, v24;
	v25 =	vsel vm0, v28, v25  }
0xcb: {  	v27 =	vld [tilespmem:s29+$0x0];
	_ =	sdelay $0x4  }
0xcc: {  	v26 =	vmin.f32 v27, v26  }
0xcd: {  	s30 =	simm.s32 $0xA00;
	v27 =	vor.u32 s31, v6;
	[tilespmem:s29+$0x0] =	vst v26;
	vm0 =	vgt.f32 v26, v24  }
0xce: {  	s1 =	simm.s32 $0x10;
	s29 =	simm.s32 $0x200;
	v24 =	vsel vm0, v26, v24;
	v25 =	vsel vm0, v27, v25;
	v26 =	vld [tilespmem:s30+$0x0]  }
.LBB2_12:
0xcf: {  	p1 =	sne.s32 s1, $0x70;
	v27 =	vld [tilespmem:s29+$0x0];
	_ =	sdelay $0x2  }
.Ltmp7:
0xd0: {  	(pc) =	sbr.rel @p1 .LBB2_12-.Ltmp7, $4  }
0xd1: {  	_ = 	snop  }
0xd2: {  	v27 =	vmin.f32 v27, v26  }
0xd3: {  	v28 =	vor.u32 s28, v7;
	s30 =	sadd.s32 $0x10, s30;
	s28 =	smov.u32 s1;
	[tilespmem:s29+$0x0] =	vst v27;
	vm0 =	vgt.f32 v27, v24  }
0xd4: {  	s1 =	sadd.s32 $0x10, s1;
	s29 =	sadd.s32 $0x10, s29;
	v26 =	vld [tilespmem:s30+$0x0];
	v24 =	vsel vm0, v27, v24;
	v25 =	vsel vm0, v28, v25  }
0xd5: {  	v27 =	vld [tilespmem:s29+$0x0];
	_ =	sdelay $0x4  }
0xd6: {  	v26 =	vmin.f32 v27, v26  }
0xd7: {  	s30 =	simm.s32 $0xA80;
	s1 =	simm.s32 $0x10;
	v27 =	vor.u32 s28, v7;
	[tilespmem:s29+$0x0] =	vst v26;
	vm0 =	vgt.f32 v26, v24  }
0xd8: {  	s31 =	simm.s32 $0x0;
	s28 =	simm.s32 $0x0;
	s29 =	simm.s32 $0x280;
	v24 =	vsel vm0, v26, v24;
	v25 =	vsel vm0, v27, v25;
	v26 =	vld [tilespmem:s30+$0x0]  }
.LBB2_14:
0xd9: {  	p1 =	sne.s32 s1, $0x70;
	v27 =	vld [tilespmem:s29+$0x0];
	_ =	sdelay $0x2  }
.Ltmp8:
0xda: {  	(pc) =	sbr.rel @p1 .LBB2_14-.Ltmp8, $4  }
0xdb: {  	_ = 	snop  }
0xdc: {  	v27 =	vmin.f32 v27, v26  }
0xdd: {  	v28 =	vor.u32 s31, v8;
	s30 =	sadd.s32 $0x10, s30;
	s31 =	smov.u32 s1;
	[tilespmem:s29+$0x0] =	vst v27;
	vm0 =	vgt.f32 v27, v24  }
0xde: {  	s1 =	sadd.s32 $0x10, s1;
	s29 =	sadd.s32 $0x10, s29;
	v26 =	vld [tilespmem:s30+$0x0];
	v24 =	vsel vm0, v27, v24;
	v25 =	vsel vm0, v28, v25  }
0xdf: {  	v27 =	vld [tilespmem:s29+$0x0];
	_ =	sdelay $0x4  }
0xe0: {  	v26 =	vmin.f32 v27, v26  }
0xe1: {  	s30 =	simm.s32 $0xB00;
	v27 =	vor.u32 s31, v8;
	[tilespmem:s29+$0x0] =	vst v26;
	vm0 =	vgt.f32 v26, v24  }
0xe2: {  	s1 =	simm.s32 $0x10;
	s29 =	simm.s32 $0x300;
	v24 =	vsel vm0, v26, v24;
	v25 =	vsel vm0, v27, v25;
	v26 =	vld [tilespmem:s30+$0x0]  }
.LBB2_16:
0xe3: {  	p1 =	sne.s32 s1, $0x70;
	v27 =	vld [tilespmem:s29+$0x0];
	_ =	sdelay $0x2  }
.Ltmp9:
0xe4: {  	(pc) =	sbr.rel @p1 .LBB2_16-.Ltmp9, $4  }
0xe5: {  	_ = 	snop  }
0xe6: {  	v27 =	vmin.f32 v27, v26  }
0xe7: {  	v28 =	vor.u32 s28, v9;
	s30 =	sadd.s32 $0x10, s30;
	s28 =	smov.u32 s1;
	[tilespmem:s29+$0x0] =	vst v27;
	vm0 =	vgt.f32 v27, v24  }
0xe8: {  	s1 =	sadd.s32 $0x10, s1;
	s29 =	sadd.s32 $0x10, s29;
	v26 =	vld [tilespmem:s30+$0x0];
	v24 =	vsel vm0, v27, v24;
	v25 =	vsel vm0, v28, v25  }
0xe9: {  	v27 =	vld [tilespmem:s29+$0x0];
	_ =	sdelay $0x4  }
0xea: {  	v26 =	vmin.f32 v27, v26  }
0xeb: {  	s30 =	simm.s32 $0xB80;
	s1 =	simm.s32 $0x10;
	v27 =	vor.u32 s28, v9;
	[tilespmem:s29+$0x0] =	vst v26;
	vm0 =	vgt.f32 v26, v24  }
0xec: {  	s31 =	simm.s32 $0x0;
	s28 =	simm.s32 $0x0;
	s29 =	simm.s32 $0x380;
	v24 =	vsel vm0, v26, v24;
	v25 =	vsel vm0, v27, v25;
	v26 =	vld [tilespmem:s30+$0x0]  }
.LBB2_18:
0xed: {  	p1 =	sne.s32 s1, $0x70;
	v27 =	vld [tilespmem:s29+$0x0];
	_ =	sdelay $0x2  }
.Ltmp10:
0xee: {  	(pc) =	sbr.rel @p1 .LBB2_18-.Ltmp10, $4  }
0xef: {  	_ = 	snop  }
0xf0: {  	v27 =	vmin.f32 v27, v26  }
0xf1: {  	v28 =	vor.u32 s31, v10;
	s30 =	sadd.s32 $0x10, s30;
	s31 =	smov.u32 s1;
	[tilespmem:s29+$0x0] =	vst v27;
	vm0 =	vgt.f32 v27, v24  }
0xf2: {  	s1 =	sadd.s32 $0x10, s1;
	s29 =	sadd.s32 $0x10, s29;
	v26 =	vld [tilespmem:s30+$0x0];
	v24 =	vsel vm0, v27, v24;
	v25 =	vsel vm0, v28, v25  }
0xf3: {  	v27 =	vld [tilespmem:s29+$0x0];
	_ =	sdelay $0x4  }
0xf4: {  	v26 =	vmin.f32 v27, v26  }
0xf5: {  	s30 =	simm.s32 $0xC00;
	v27 =	vor.u32 s31, v10;
	[tilespmem:s29+$0x0] =	vst v26;
	vm0 =	vgt.f32 v26, v24  }
0xf6: {  	s1 =	simm.s32 $0x10;
	s29 =	simm.s32 $0x400;
	v24 =	vsel vm0, v26, v24;
	v25 =	vsel vm0, v27, v25;
	v26 =	vld [tilespmem:s30+$0x0]  }
.LBB2_20:
0xf7: {  	p1 =	sne.s32 s1, $0x70;
	v27 =	vld [tilespmem:s29+$0x0];
	_ =	sdelay $0x2  }
.Ltmp11:
0xf8: {  	(pc) =	sbr.rel @p1 .LBB2_20-.Ltmp11, $4  }
0xf9: {  	_ = 	snop  }
0xfa: {  	v27 =	vmin.f32 v27, v26  }
0xfb: {  	v28 =	vor.u32 s28, v11;
	s30 =	sadd.s32 $0x10, s30;
	s28 =	smov.u32 s1;
	[tilespmem:s29+$0x0] =	vst v27;
	vm0 =	vgt.f32 v27, v24  }
0xfc: {  	s1 =	sadd.s32 $0x10, s1;
	s29 =	sadd.s32 $0x10, s29;
	v26 =	vld [tilespmem:s30+$0x0];
	v24 =	vsel vm0, v27, v24;
	v25 =	vsel vm0, v28, v25  }
0xfd: {  	v27 =	vld [tilespmem:s29+$0x0];
	_ =	sdelay $0x4  }
0xfe: {  	v26 =	vmin.f32 v27, v26  }
0xff: {  	s30 =	simm.s32 $0xC80;
	s1 =	simm.s32 $0x10;
	v27 =	vor.u32 s28, v11;
	[tilespmem:s29+$0x0] =	vst v26;
	vm0 =	vgt.f32 v26, v24  }
0x100: {  	s31 =	simm.s32 $0x0;
	s28 =	simm.s32 $0x0;
	s29 =	simm.s32 $0x480;
	v24 =	vsel vm0, v26, v24;
	v25 =	vsel vm0, v27, v25;
	v26 =	vld [tilespmem:s30+$0x0]  }
.LBB2_22:
0x101: {  	p1 =	sne.s32 s1, $0x70;
	v27 =	vld [tilespmem:s29+$0x0];
	_ =	sdelay $0x2  }
.Ltmp12:
0x102: {  	(pc) =	sbr.rel @p1 .LBB2_22-.Ltmp12, $4  }
0x103: {  	_ = 	snop  }
0x104: {  	v27 =	vmin.f32 v27, v26  }
0x105: {  	v28 =	vor.u32 s31, v12;
	s30 =	sadd.s32 $0x10, s30;
	s31 =	smov.u32 s1;
	[tilespmem:s29+$0x0] =	vst v27;
	vm0 =	vgt.f32 v27, v24  }
0x106: {  	s1 =	sadd.s32 $0x10, s1;
	s29 =	sadd.s32 $0x10, s29;
	v26 =	vld [tilespmem:s30+$0x0];
	v24 =	vsel vm0, v27, v24;
	v25 =	vsel vm0, v28, v25  }
0x107: {  	v27 =	vld [tilespmem:s29+$0x0];
	_ =	sdelay $0x4  }
0x108: {  	v26 =	vmin.f32 v27, v26  }
0x109: {  	s30 =	simm.s32 $0xD00;
	v27 =	vor.u32 s31, v12;
	[tilespmem:s29+$0x0] =	vst v26;
	vm0 =	vgt.f32 v26, v24  }
0x10a: {  	s1 =	simm.s32 $0x10;
	s29 =	simm.s32 $0x500;
	v24 =	vsel vm0, v26, v24;
	v25 =	vsel vm0, v27, v25;
	v26 =	vld [tilespmem:s30+$0x0]  }
.LBB2_24:
0x10b: {  	p1 =	sne.s32 s1, $0x70;
	v27 =	vld [tilespmem:s29+$0x0];
	_ =	sdelay $0x2  }
.Ltmp13:
0x10c: {  	(pc) =	sbr.rel @p1 .LBB2_24-.Ltmp13, $4  }
0x10d: {  	_ = 	snop  }
0x10e: {  	v27 =	vmin.f32 v27, v26  }
0x10f: {  	v28 =	vor.u32 s28, v13;
	s30 =	sadd.s32 $0x10, s30;
	s28 =	smov.u32 s1;
	[tilespmem:s29+$0x0] =	vst v27;
	vm0 =	vgt.f32 v27, v24  }
0x110: {  	s1 =	sadd.s32 $0x10, s1;
	s29 =	sadd.s32 $0x10, s29;
	v26 =	vld [tilespmem:s30+$0x0];
	v24 =	vsel vm0, v27, v24;
	v25 =	vsel vm0, v28, v25  }
0x111: {  	v27 =	vld [tilespmem:s29+$0x0];
	_ =	sdelay $0x4  }
0x112: {  	v26 =	vmin.f32 v27, v26  }
0x113: {  	s30 =	simm.s32 $0xD80;
	s1 =	simm.s32 $0x10;
	v27 =	vor.u32 s28, v13;
	[tilespmem:s29+$0x0] =	vst v26;
	vm0 =	vgt.f32 v26, v24  }
0x114: {  	s31 =	simm.s32 $0x0;
	s28 =	simm.s32 $0x0;
	s29 =	simm.s32 $0x580;
	v24 =	vsel vm0, v26, v24;
	v25 =	vsel vm0, v27, v25;
	v26 =	vld [tilespmem:s30+$0x0]  }
.LBB2_26:
0x115: {  	p1 =	sne.s32 s1, $0x70;
	v27 =	vld [tilespmem:s29+$0x0];
	_ =	sdelay $0x2  }
.Ltmp14:
0x116: {  	(pc) =	sbr.rel @p1 .LBB2_26-.Ltmp14, $4  }
0x117: {  	_ = 	snop  }
0x118: {  	v27 =	vmin.f32 v27, v26  }
0x119: {  	v28 =	vor.u32 s31, v14;
	s30 =	sadd.s32 $0x10, s30;
	s31 =	smov.u32 s1;
	[tilespmem:s29+$0x0] =	vst v27;
	vm0 =	vgt.f32 v27, v24  }
0x11a: {  	s1 =	sadd.s32 $0x10, s1;
	s29 =	sadd.s32 $0x10, s29;
	v26 =	vld [tilespmem:s30+$0x0];
	v24 =	vsel vm0, v27, v24;
	v25 =	vsel vm0, v28, v25  }
0x11b: {  	v27 =	vld [tilespmem:s29+$0x0];
	_ =	sdelay $0x4  }
0x11c: {  	v26 =	vmin.f32 v27, v26  }
0x11d: {  	s30 =	simm.s32 $0xE00;
	v27 =	vor.u32 s31, v14;
	[tilespmem:s29+$0x0] =	vst v26;
	vm0 =	vgt.f32 v26, v24  }
0x11e: {  	s1 =	simm.s32 $0x10;
	s29 =	simm.s32 $0x600;
	v24 =	vsel vm0, v26, v24;
	v25 =	vsel vm0, v27, v25;
	v26 =	vld [tilespmem:s30+$0x0]  }
.LBB2_28:
0x11f: {  	p1 =	sne.s32 s1, $0x70;
	v27 =	vld [tilespmem:s29+$0x0];
	_ =	sdelay $0x2  }
.Ltmp15:
0x120: {  	(pc) =	sbr.rel @p1 .LBB2_28-.Ltmp15, $4  }
0x121: {  	_ = 	snop  }
0x122: {  	v27 =	vmin.f32 v27, v26  }
0x123: {  	v28 =	vor.u32 s28, v15;
	s30 =	sadd.s32 $0x10, s30;
	s28 =	smov.u32 s1;
	[tilespmem:s29+$0x0] =	vst v27;
	vm0 =	vgt.f32 v27, v24  }
0x124: {  	s1 =	sadd.s32 $0x10, s1;
	s29 =	sadd.s32 $0x10, s29;
	v26 =	vld [tilespmem:s30+$0x0];
	v24 =	vsel vm0, v27, v24;
	v25 =	vsel vm0, v28, v25  }
0x125: {  	v27 =	vld [tilespmem:s29+$0x0];
	_ =	sdelay $0x4  }
0x126: {  	v26 =	vmin.f32 v27, v26  }
0x127: {  	s30 =	simm.s32 $0xE80;
	s1 =	simm.s32 $0x10;
	v27 =	vor.u32 s28, v15;
	[tilespmem:s29+$0x0] =	vst v26;
	vm0 =	vgt.f32 v26, v24  }
0x128: {  	s31 =	simm.s32 $0x0;
	s28 =	simm.s32 $0x0;
	s29 =	simm.s32 $0x680;
	v24 =	vsel vm0, v26, v24;
	v25 =	vsel vm0, v27, v25;
	v26 =	vld [tilespmem:s30+$0x0]  }
.LBB2_30:
0x129: {  	p1 =	sne.s32 s1, $0x70;
	v27 =	vld [tilespmem:s29+$0x0];
	_ =	sdelay $0x2  }
.Ltmp16:
0x12a: {  	(pc) =	sbr.rel @p1 .LBB2_30-.Ltmp16, $4  }
0x12b: {  	_ = 	snop  }
0x12c: {  	v27 =	vmin.f32 v27, v26  }
0x12d: {  	v28 =	vor.u32 s31, v16;
	s30 =	sadd.s32 $0x10, s30;
	s31 =	smov.u32 s1;
	[tilespmem:s29+$0x0] =	vst v27;
	vm0 =	vgt.f32 v27, v24  }
0x12e: {  	s1 =	sadd.s32 $0x10, s1;
	s29 =	sadd.s32 $0x10, s29;
	v26 =	vld [tilespmem:s30+$0x0];
	v24 =	vsel vm0, v27, v24;
	v25 =	vsel vm0, v28, v25  }
0x12f: {  	v27 =	vld [tilespmem:s29+$0x0];
	_ =	sdelay $0x4  }
0x130: {  	v26 =	vmin.f32 v27, v26  }
0x131: {  	s30 =	simm.s32 $0xF00;
	v27 =	vor.u32 s31, v16;
	[tilespmem:s29+$0x0] =	vst v26;
	vm0 =	vgt.f32 v26, v24  }
0x132: {  	s1 =	simm.s32 $0x10;
	s29 =	simm.s32 $0x700;
	v24 =	vsel vm0, v26, v24;
	v25 =	vsel vm0, v27, v25;
	v26 =	vld [tilespmem:s30+$0x0]  }
.LBB2_32:
0x133: {  	p1 =	sne.s32 s1, $0x70;
	v27 =	vld [tilespmem:s29+$0x0];
	_ =	sdelay $0x2  }
.Ltmp17:
0x134: {  	(pc) =	sbr.rel @p1 .LBB2_32-.Ltmp17, $4  }
0x135: {  	_ = 	snop  }
0x136: {  	v27 =	vmin.f32 v27, v26  }
0x137: {  	v28 =	vor.u32 s28, v17;
	s30 =	sadd.s32 $0x10, s30;
	s28 =	smov.u32 s1;
	[tilespmem:s29+$0x0] =	vst v27;
	vm0 =	vgt.f32 v27, v24  }
0x138: {  	s1 =	sadd.s32 $0x10, s1;
	s29 =	sadd.s32 $0x10, s29;
	v26 =	vld [tilespmem:s30+$0x0];
	v24 =	vsel vm0, v27, v24;
	v25 =	vsel vm0, v28, v25  }
0x139: {  	v27 =	vld [tilespmem:s29+$0x0];
	_ =	sdelay $0x4  }
0x13a: {  	v26 =	vmin.f32 v27, v26  }
0x13b: {  	s30 =	simm.s32 $0xF80;
	v27 =	vor.u32 s28, v17;
	[tilespmem:s29+$0x0] =	vst v26;
	vm0 =	vgt.f32 v26, v24  }
0x13c: {  	s31 =	simm.s32 $0x10;
	s28 =	simm.s32 $0x780;
	s29 =	simm.s32 $0x0;
	v26 =	vsel vm0, v26, v24;
	v24 =	vsel vm0, v27, v25;
	v27 =	vld [tilespmem:s30+$0x0]  }
.LBB2_34:
0x13d: {  	p1 =	sne.s32 s31, $0x70;
	v25 =	vld [tilespmem:s28+$0x0];
	_ =	sdelay $0x2  }
.Ltmp18:
0x13e: {  	(pc) =	sbr.rel @p1 .LBB2_34-.Ltmp18, $4  }
0x13f: {  	_ = 	snop  }
0x140: {  	v28 =	vmin.f32 v25, v27;
	v25 =	vor.u32 $0x780, v0  }
0x141: {  	s30 =	sadd.s32 $0x10, s30;
	[tilespmem:s28+$0x0] =	vst v28;
	vm0 =	vgt.f32 v28, v26;
	v29 =	vor.u32 s29, v25;
	s29 =	smov.u32 s31  }
0x142: {  	s31 =	sadd.s32 $0x10, s31;
	s28 =	sadd.s32 $0x10, s28;
	v27 =	vld [tilespmem:s30+$0x0];
	v26 =	vsel vm0, v28, v26;
	v24 =	vsel vm0, v29, v24  }
0x143: {  	v28 =	vld [tilespmem:s28+$0x0];
	_ =	sdelay $0x4  }
0x144: {  	v27 =	vmin.f32 v28, v27  }
0x145: {  	vm0 =	vgt.f32 v27, v26  }
0x146: {  	v26 =	vsel vm0, v27, v26  }
0x147: {  	v60 =	vperm.xlane v26, v18;
	_ =	sdelay $0x1  }
0x148: {  	v28 =	vmax.f32 v26, v60  }
0x149: {  	v29 =	vperm.xlane v28, v19;
	_ =	sdelay $0x1  }
0x14a: {  	v28 =	vmax.f32 v28, v29  }
0x14b: {  	v29 =	vperm.xlane v28, v20;
	_ =	sdelay $0x1  }
0x14c: {  	v28 =	vmax.f32 v28, v29  }
0x14d: {  	v29 =	vperm.xlane v28, v21;
	_ =	sdelay $0x1  }
0x14e: {  	v25 =	vor.u32 s29, v25;
	v28 =	vmax.f32 v28, v29  }
0x14f: {  	v24 =	vsel vm0, v25, v24;
	vm15 =	veq.f32 v26, v28  }
0x150: {  	v24 =	vsel vm15, v24, v23  }
0x151: {  	v61 =	vperm.xlane v24, v18;
	_ =	sdelay $0x1  }
0x152: {  	vm0 =	vlt.s32 v24, v61  }
0x153: {  	v24 =	vsel vm0, v24, v61  }
0x154: {  	v25 =	vperm.xlane v24, v19;
	_ =	sdelay $0x1  }
0x155: {  	vm0 =	vlt.s32 v24, v25  }
0x156: {  	v24 =	vsel vm0, v24, v25  }
0x157: {  	v25 =	vperm.xlane v24, v20;
	_ =	sdelay $0x1  }
0x158: {  	vm0 =	vlt.s32 v24, v25  }
0x159: {  	v24 =	vsel vm0, v24, v25  }
0x15a: {  	v25 =	vperm.xlane v24, v21;
	_ =	sdelay $0x1  }
0x15b: {  	vm0 =	vlt.s32 v24, v25  }
0x15c: {  	v24 =	vsel vm0, v24, v25  }
0x15d: {  	[tilespmem:s28+$0x0] =	vst v27;
	v24 =	vadd.s32 v2, v24  }
0x15e: {  	v62 =	vshll.u32 v24, $0x4;
	[tilespmem:s26+$0x1080] =	vst v24;
	s26 =	sadd.s32 $0x1, s26  }
0x15f: {  	v63 =	vor.u32 v0, v62;
	p1 =	sne.s32 s26, $0x400  }
.Ltmp19:
0x160: {  	[tilespmem:$0x1000] =	vst v63;
	(pc) =	sbr.rel @p1 .LBB2_3-.Ltmp19, $4  }
0x161: {  	[tilespmem:s21], [sflag:$0x1] =	stream.indirect.gather [hbm4b:s4+s19], $0x80, s20, s19, $0xb8;
	[tilespmem:$0x5600] =	vst v63  }
0x162: {  	_ =	swait.ge [sflag:s22], $0x800  }
0x163: {  	[sflag:s22] =	ssyncset.done $0x0  }
0x164: {  	[sflag:s22] =	ssyncadd.s32 $0xFFFFF800  }
0x165: {  	s1 =	simm.s32 $0x1080  }
0x166: {  	[tilespmem:s25], [sflag:$0x1] =	stream.indirect.gather [hbm4b:s5+s23], $0x80, s1, s23, $0xb8;
	[tilespmem:$0x5600] =	vst v63  }
0x167: {  	_ =	swait.ge [sflag:s22], $0x4000  }
0x168: {  	[sflag:s22] =	ssyncset.done $0x0  }
0x169: {  	[sflag:s22] =	ssyncadd.s32 $0xFFFFC000  }
0x16a: {  	[hbm4b:s7+s3] =	stream.linear.scatter [tilespmem:s25], [sflag:$0x2], $0x4000, $0x38;
	[tilespmem:$0x5600] =	vst v63  }
0x16b: {  	_ =	swait.ge [sflag:s18], $0x4000  }
0x16c: {  	[sflag:s18] =	ssyncset.done $0x0  }
0x16d: {  	s31 =	simm.s32 $0x1100;
	[sflag:s18] =	ssyncadd.s32 $0xFFFFC000  }
0x16e: {  	[tilespmem:s25], [sflag:$0x1] =	stream.indirect.gather [hbm4b:s5+s23], $0x80, s31, s23, $0xb8;
	[tilespmem:$0x5600] =	vst v63  }
0x16f: {  	_ =	swait.ge [sflag:s22], $0x4000  }
0x170: {  	[sflag:s22] =	ssyncset.done $0x0  }
0x171: {  	[sflag:s22] =	ssyncadd.s32 $0xFFFFC000  }
0x172: {  	[hbm4b:s8+s3] =	stream.linear.scatter [tilespmem:s25], [sflag:$0x2], $0x4000, $0x38;
	[tilespmem:$0x5600] =	vst v63  }
0x173: {  	_ =	swait.ge [sflag:s18], $0x4000  }
0x174: {  	[sflag:s18] =	ssyncset.done $0x0  }
0x175: {  	s26 =	simm.s32 $0x1180;
	[sflag:s18] =	ssyncadd.s32 $0xFFFFC000  }
0x176: {  	[tilespmem:s25], [sflag:$0x1] =	stream.indirect.gather [hbm4b:s5+s23], $0x80, s26, s23, $0xb8;
	[tilespmem:$0x5600] =	vst v63  }
0x177: {  	_ =	swait.ge [sflag:s22], $0x4000  }
0x178: {  	[sflag:s22] =	ssyncset.done $0x0  }
0x179: {  	[sflag:s22] =	ssyncadd.s32 $0xFFFFC000  }
0x17a: {  	[hbm4b:s9+s3] =	stream.linear.scatter [tilespmem:s25], [sflag:$0x2], $0x4000, $0x38;
	[tilespmem:$0x5600] =	vst v63  }
0x17b: {  	_ =	swait.ge [sflag:s18], $0x4000  }
0x17c: {  	[sflag:s18] =	ssyncset.done $0x0  }
0x17d: {  	s28 =	simm.s32 $0x1200;
	[sflag:s18] =	ssyncadd.s32 $0xFFFFC000  }
0x17e: {  	[tilespmem:s25], [sflag:$0x1] =	stream.indirect.gather [hbm4b:s5+s23], $0x80, s28, s23, $0xb8;
	[tilespmem:$0x5600] =	vst v63  }
0x17f: {  	_ =	swait.ge [sflag:s22], $0x4000  }
0x180: {  	[sflag:s22] =	ssyncset.done $0x0  }
0x181: {  	[sflag:s22] =	ssyncadd.s32 $0xFFFFC000  }
0x182: {  	[hbm4b:s10+s3] =	stream.linear.scatter [tilespmem:s25], [sflag:$0x2], $0x4000, $0x38;
	[tilespmem:$0x5600] =	vst v63  }
0x183: {  	_ =	swait.ge [sflag:s18], $0x4000  }
0x184: {  	[sflag:s18] =	ssyncset.done $0x0  }
0x185: {  	s29 =	simm.s32 $0x1280;
	[sflag:s18] =	ssyncadd.s32 $0xFFFFC000  }
0x186: {  	[tilespmem:s25], [sflag:$0x1] =	stream.indirect.gather [hbm4b:s5+s23], $0x80, s29, s23, $0xb8;
	[tilespmem:$0x5600] =	vst v63  }
0x187: {  	_ =	swait.ge [sflag:s22], $0x4000  }
0x188: {  	[sflag:s22] =	ssyncset.done $0x0  }
0x189: {  	[sflag:s22] =	ssyncadd.s32 $0xFFFFC000  }
0x18a: {  	[hbm4b:s11+s3] =	stream.linear.scatter [tilespmem:s25], [sflag:$0x2], $0x4000, $0x38;
	[tilespmem:$0x5600] =	vst v63  }
0x18b: {  	_ =	swait.ge [sflag:s18], $0x4000  }
0x18c: {  	[sflag:s18] =	ssyncset.done $0x0  }
0x18d: {  	s30 =	simm.s32 $0x1300;
	[sflag:s18] =	ssyncadd.s32 $0xFFFFC000  }
0x18e: {  	[tilespmem:s25], [sflag:$0x1] =	stream.indirect.gather [hbm4b:s5+s23], $0x80, s30, s23, $0xb8;
	[tilespmem:$0x5600] =	vst v63  }
0x18f: {  	_ =	swait.ge [sflag:s22], $0x4000  }
0x190: {  	[sflag:s22] =	ssyncset.done $0x0  }
0x191: {  	[sflag:s22] =	ssyncadd.s32 $0xFFFFC000  }
0x192: {  	[hbm4b:s12+s3] =	stream.linear.scatter [tilespmem:s25], [sflag:$0x2], $0x4000, $0x38;
	[tilespmem:$0x5600] =	vst v63  }
0x193: {  	_ =	swait.ge [sflag:s18], $0x4000  }
0x194: {  	[sflag:s18] =	ssyncset.done $0x0  }
0x195: {  	s31 =	simm.s32 $0x1380;
	[sflag:s18] =	ssyncadd.s32 $0xFFFFC000  }
0x196: {  	[tilespmem:s25], [sflag:$0x1] =	stream.indirect.gather [hbm4b:s5+s23], $0x80, s31, s23, $0xb8;
	[tilespmem:$0x5600] =	vst v63  }
0x197: {  	_ =	swait.ge [sflag:s22], $0x4000  }
0x198: {  	[sflag:s22] =	ssyncset.done $0x0  }
0x199: {  	[sflag:s22] =	ssyncadd.s32 $0xFFFFC000  }
0x19a: {  	[hbm4b:s13+s3] =	stream.linear.scatter [tilespmem:s25], [sflag:$0x2], $0x4000, $0x38;
	[tilespmem:$0x5600] =	vst v63  }
0x19b: {  	_ =	swait.ge [sflag:s18], $0x4000  }
0x19c: {  	[sflag:s18] =	ssyncset.done $0x0  }
0x19d: {  	[sflag:s18] =	ssyncadd.s32 $0xFFFFC000  }
0x19e: {  	[tilespmem:s25], [sflag:$0x1] =	stream.indirect.gather [hbm4b:s5+s23], $0x80, s0, s23, $0xb8;
	[tilespmem:$0x5600] =	vst v63  }
0x19f: {  	_ =	swait.ge [sflag:s22], $0x4000  }
0x1a0: {  	[sflag:s22] =	ssyncset.done $0x0  }
.Ltmp20:
0x1a1: {  	[sflag:s22] =	ssyncadd.s32 $0xFFFFC000;
	(pc) =	sbr.rel .LBB2_37-.Ltmp20, $4  }
0x1a2: {  	[hbm4b:s14+s3] =	stream.linear.scatter [tilespmem:s25], [sflag:$0x2], $0x4000, $0x38;
	[tilespmem:$0x5600] =	vst v63  }
0x1a3: {  	_ =	swait.ge [sflag:s18], $0x4000  }
0x1a4: {  	[sflag:s18] =	ssyncset.done $0x0  }
0x1a5: {  	[sflag:s18] =	ssyncadd.s32 $0xFFFFC000  }
.LBB2_38:
0x1a6: {  	_ =	sfence.sel $0x180000  }
0x1a7: {  	[bflag:$0x0] =	sbarrier.arrive $0xFFFF  }
0x1a8: {  	_ =	strace $0x90000047  }
0x1a9: {  	s0 =	stileid.u32;
	[bflag:$0x2] =	sbarrier.arrive $0xFFFF  }
0x1aa: {  	p0 =	sne.s32 s0, $0x0;
	s0 =	rddreg [dreg:$0x2]  }
0x1ab: {  	s0 =	sadd.s32 @!p0 $0x100000, s0  }
0x1ac: {  	[sflag:s0] =	ssyncadd.tile.s32 @!p0 $0x1;
	_ =	shalt  }
.Lfunc_end2:
_tile_overlayer_lowered:
.L_overlay_start_2:
0x1ad: {  	(tag) =	ssettag $0x2  }
0x1ae: {  	s0 =	rddreg [dreg:$0x0];
	s2 =	stileid.u32  }
0x1af: {  	s1 =	rddreg [dreg:$0x1];
	p0 =	sne.s32 s2, $0x0  }
0x1b0: {  	s3 =	rddreg [dreg:$0x2];
	[bflag:$0x3] =	sbarrier.arrive $0xFFFF;
	s2 =	simm.s32 @!p0 $0x1C02  }
0x1b1: {  	[timem:s3], [sflag:s2] =	dma.local @!p0 [hbm:s0], s1  }
0x1b2: {  	s0 =	simm.s32 @!p0 $0x2  }
0x1b3: {  	_ =	swait.ge @!p0 [sflag:s0], s1  }
0x1b4: {  	s1 =	ssub.s32 @!p0 $0x0, s1;
	[sflag:s0] =	ssyncset.done @!p0 $0x0  }
0x1b5: {  	[sflag:s0] =	ssyncadd.s32 @!p0 s1  }
0x1b6: {  	[bflag:$0x3] =	sbarrier.arrive $0xFFFF  }
0x1b7: {  	_ =	shalt  }

</sc_bundles>
